<compile_context>
chip_gen: v7x
topology: tpu7x:2x2x1
jax: 0.10.2.dev20260603
libtpu: 0.0.44.dev20260713+nightly
codegen_flags: <defaults>
</compile_context>

<pallas_src>
import jax
import jax.numpy as jnp
from jax import lax
from jax.experimental import pallas as pl
from jax.experimental.pallas import tpu as pltpu
from jax.experimental.pallas import tpu_sc as plsc

VOCAB = 100000
HIDDEN = 128
BATCH = 4096
HIST = 50

NC = 2
NS = 16
NW = NC * NS
ROWS = BATCH * HIST
BPW = ROWS // NW
CH = 128
NCH = BPW // CH
NBUF = 5


def _gather_kernel(idx_hbm, w_hbm, out_hbm, idx_v,
                   b0, b1, b2, b3, b4,
                   g0, g1, g2, g3, g4,
                   w0, w1, w2, w3, w4):
    bufs = (b0, b1, b2, b3, b4)
    gsems = (g0, g1, g2, g3, g4)
    wsems = (w0, w1, w2, w3, w4)
    wid = lax.axis_index("s") * NC + lax.axis_index("c")
    base = wid * BPW
    pltpu.sync_copy(idx_hbm.at[wid], idx_v)

    def g_desc(c, b):
        return pltpu.make_async_copy(w_hbm.at[idx_v.at[c]], bufs[b], gsems[b])

    def w_desc(c, b):
        return pltpu.make_async_copy(
            bufs[b], out_hbm.at[pl.ds(base + c * CH, CH)], wsems[b])

    def step(c, b):
        g_desc(c, b).wait()
        w_desc(c, b).start()
        bp = (b - 1) % NBUF
        w_desc(c - 1, bp).wait()
        g_desc(c + NBUF - 1, bp).start()

    for b in range(NBUF):
        g_desc(b, b).start()

    g_desc(0, 0).wait()
    w_desc(0, 0).start()
    for c in range(1, NBUF):
        step(c, c % NBUF)

    def outer(k, carry):
        c0 = k * NBUF
        for b in range(NBUF):
            step(c0 + b, b)
        return carry

    lax.fori_loop(1, (NCH - NBUF) // NBUF, outer, 0)

    for c in range(NCH - NBUF, NCH):
        b = c % NBUF
        g_desc(c, b).wait()
        w_desc(c, b).start()
        bp = (b - 1) % NBUF
        w_desc(c - 1, bp).wait()
        if c + NBUF - 1 < NCH:
            g_desc(c + NBUF - 1, bp).start()
    w_desc(NCH - 1, (NCH - 1) % NBUF).wait()


def kernel(ids, weight):
    idx = ids.astype(jnp.int32).reshape(NW, NCH, CH)
    mesh = plsc.VectorSubcoreMesh(
        core_axis_name="c", subcore_axis_name="s", num_cores=NC, num_subcores=NS
    )
    run = pl.kernel(
        _gather_kernel,
        out_type=jax.ShapeDtypeStruct((ROWS, HIDDEN), jnp.float32),
        mesh=mesh,
        scratch_types=(
            [pltpu.VMEM((NCH, CH), jnp.int32)]
            + [pltpu.VMEM((CH, HIDDEN), jnp.float32) for _ in range(NBUF)]
            + [pltpu.SemaphoreType.DMA for _ in range(2 * NBUF)]
        ),
    )
    out = run(idx, weight)
    return out.reshape(BATCH, HIST, HIDDEN)

# --- scband reference (transcript-rebuilt; emitter-appended) ---
"""Pipeline reference for scband-token-embedding-small-120259084697 (READ-ONLY COPY).

The authoritative reference and input builder live on the scoring server;
editing this copy changes nothing except your own understanding.
"""

import jax, jax.numpy as jnp
import numpy as np

VOCAB = 100000
HIDDEN = 128
BATCH = 4096
HIST = 50

def setup_inputs(seed: int = 0) -> dict:
    key = jax.random.key(seed)
    k_ids, k_w = jax.random.split(key)
    ids = jax.random.randint(k_ids, (BATCH, HIST), 0, VOCAB, dtype=jnp.int64 if jax.config.jax_enable_x64 else jnp.int32)
    weight = jax.random.normal(k_w, (VOCAB, HIDDEN), dtype=jnp.float32)
    return {"ids": ids, "weight": weight}

def reference(ids, weight):
    # Faithful translation of: return self.weight[ids]
    return jnp.take(weight, ids, axis=0)

if __name__ == "__main__":
    import jax
    _d = setup_inputs()
    print(jax.jit(kernel)(*tuple(_d.values())))

</pallas_src>

<mosaic_0001>
#map = affine_map<(d0, d1) -> (0, 0, 0)>
#map1 = affine_map<(d0, d1) -> (0, 0)>
module attributes {stable_mosaic.version = 14 : i64} {
  func.func @_gather_kernel(%arg0: i32, %arg1: i32, %arg2: memref<32x50x128xi32, #tpu.memory_space<hbm>>, %arg3: memref<100000x128xf32, #tpu.memory_space<hbm>>, %arg4: memref<204800x128xf32, #tpu.memory_space<hbm>>, %arg5: memref<50x128xi32, #tpu.memory_space<vmem>>, %arg6: memref<128x128xf32, #tpu.memory_space<vmem>>, %arg7: memref<128x128xf32, #tpu.memory_space<vmem>>, %arg8: memref<128x128xf32, #tpu.memory_space<vmem>>, %arg9: memref<128x128xf32, #tpu.memory_space<vmem>>, %arg10: memref<128x128xf32, #tpu.memory_space<vmem>>, %arg11: memref<!tpu.dma_semaphore, #tpu.memory_space<semaphore_mem>>, %arg12: memref<!tpu.dma_semaphore, #tpu.memory_space<semaphore_mem>>, %arg13: memref<!tpu.dma_semaphore, #tpu.memory_space<semaphore_mem>>, %arg14: memref<!tpu.dma_semaphore, #tpu.memory_space<semaphore_mem>>, %arg15: memref<!tpu.dma_semaphore, #tpu.memory_space<semaphore_mem>>, %arg16: memref<!tpu.dma_semaphore, #tpu.memory_space<semaphore_mem>>, %arg17: memref<!tpu.dma_semaphore, #tpu.memory_space<semaphore_mem>>, %arg18: memref<!tpu.dma_semaphore, #tpu.memory_space<semaphore_mem>>, %arg19: memref<!tpu.dma_semaphore, #tpu.memory_space<semaphore_mem>>, %arg20: memref<!tpu.dma_semaphore, #tpu.memory_space<semaphore_mem>>) attributes {dimension_semantics = [#tpu.dimension_semantics<core_parallel>, #tpu.dimension_semantics<subcore_parallel>], iteration_bounds = array<i64: 2, 16>, scalar_prefetch = 0 : i64, scratch_operands = 16 : i64, tpu.core_type = #tpu.core_type<sc_vector_subcore>, window_params = [{transform_indices = #map}, {transform_indices = #map1}, {transform_indices = #map1}]} {
    %mul3A = arith.constant 2 : i32
    %mul3A_0 = arith.muli %arg1, %mul3A : i32
    %add3A = arith.addi %mul3A_0, %arg0 : i32
    %mul3A_1 = arith.constant 6400 : i32
    %mul3A_2 = arith.muli %add3A, %mul3A_1 : i32
    "tpu.region"() ({
      %run_scoped3A = tpu.sem_alloc : memref<!tpu.dma_semaphore, #tpu.memory_space<semaphore_mem>>
      %dma_start3A_266 = arith.constant 0 : i32
      %dma_start3A_267 = arith.constant 0 : i32
      %dma_start3A_268 = tpu.memref_slice %arg2[%add3A, %dma_start3A_266, %dma_start3A_267] : memref<32x50x128xi32, #tpu.memory_space<hbm>> -> memref<1x50x128xi32, #tpu.memory_space<hbm>>
      %dma_start3A_269 = tpu.memref_squeeze %dma_start3A_268 : memref<1x50x128xi32, #tpu.memory_space<hbm>> -> memref<50x128xi32, #tpu.memory_space<hbm>>
      %dma_start3A_270 = arith.constant 0 : i32
      %dma_start3A_271 = arith.constant 0 : i32
      %dma_start3A_272 = tpu.memref_slice %arg2[%add3A, %dma_start3A_270, %dma_start3A_271] : memref<32x50x128xi32, #tpu.memory_space<hbm>> -> memref<1x50x128xi32, #tpu.memory_space<hbm>>
      %dma_start3A_273 = tpu.memref_squeeze %dma_start3A_272 : memref<1x50x128xi32, #tpu.memory_space<hbm>> -> memref<50x128xi32, #tpu.memory_space<hbm>>
      tpu.enqueue_dma source(%dma_start3A_273 : memref<50x128xi32, #tpu.memory_space<hbm>>) target(%arg5 : memref<50x128xi32, #tpu.memory_space<vmem>>) target_semaphore(%run_scoped3A : memref<!tpu.dma_semaphore, #tpu.memory_space<semaphore_mem>>)
      %dma_wait3A_274 = arith.constant 0 : i32
      %dma_wait3A_275 = arith.constant 0 : i32
      %dma_wait3A_276 = tpu.memref_slice %arg2[%add3A, %dma_wait3A_274, %dma_wait3A_275] : memref<32x50x128xi32, #tpu.memory_space<hbm>> -> memref<1x50x128xi32, #tpu.memory_space<hbm>>
      %dma_wait3A_277 = tpu.memref_squeeze %dma_wait3A_276 : memref<1x50x128xi32, #tpu.memory_space<hbm>> -> memref<50x128xi32, #tpu.memory_space<hbm>>
      %dma_wait3A_278 = arith.constant 0 : i32
      %dma_wait3A_279 = arith.constant 0 : i32
      %dma_wait3A_280 = tpu.memref_slice %arg2[%add3A, %dma_wait3A_278, %dma_wait3A_279] : memref<32x50x128xi32, #tpu.memory_space<hbm>> -> memref<1x50x128xi32, #tpu.memory_space<hbm>>
      %dma_wait3A_281 = tpu.memref_squeeze %dma_wait3A_280 : memref<1x50x128xi32, #tpu.memory_space<hbm>> -> memref<50x128xi32, #tpu.memory_space<hbm>>
      tpu.wait_dma2 semaphore(%run_scoped3A : memref<!tpu.dma_semaphore, #tpu.memory_space<semaphore_mem>>) src(%dma_wait3A_281 : memref<50x128xi32, #tpu.memory_space<hbm>>) dst(%arg5 : memref<50x128xi32, #tpu.memory_space<vmem>>)
      tpu.yield
    }) : () -> ()
    %dma_start3A = arith.constant 0 : i32
    %dma_start3A_3 = arith.constant 0 : i32
    %dma_start3A_4 = tpu.memref_slice %arg5[%dma_start3A, %dma_start3A_3] : memref<50x128xi32, #tpu.memory_space<vmem>> -> memref<1x128xi32, #tpu.memory_space<vmem>>
    %dma_start3A_5 = tpu.memref_squeeze %dma_start3A_4 : memref<1x128xi32, #tpu.memory_space<vmem>> -> memref<128xi32, #tpu.memory_space<vmem>>
    %dma_start3A_6 = arith.constant 0 : i32
    %dma_start3A_7 = arith.constant 0 : i32
    %dma_start3A_8 = tpu.memref_slice %arg3[%dma_start3A_6, %dma_start3A_7] : memref<100000x128xf32, #tpu.memory_space<hbm>> -> memref<100000x128xf32, #tpu.memory_space<hbm>>
    tpu.enqueue_indirect_dma source(%dma_start3A_8 : memref<100000x128xf32, #tpu.memory_space<hbm>>) target(%arg6 : memref<128x128xf32, #tpu.memory_space<vmem>>) offsets(%dma_start3A_5 : memref<128xi32, #tpu.memory_space<vmem>>) semaphore(%arg11 : memref<!tpu.dma_semaphore, #tpu.memory_space<semaphore_mem>>)
    %dma_start3A_9 = arith.constant 1 : i32
    %dma_start3A_10 = arith.constant 0 : i32
    %dma_start3A_11 = tpu.memref_slice %arg5[%dma_start3A_9, %dma_start3A_10] : memref<50x128xi32, #tpu.memory_space<vmem>> -> memref<1x128xi32, #tpu.memory_space<vmem>>
    %dma_start3A_12 = tpu.memref_squeeze %dma_start3A_11 : memref<1x128xi32, #tpu.memory_space<vmem>> -> memref<128xi32, #tpu.memory_space<vmem>>
    %dma_start3A_13 = arith.constant 0 : i32
    %dma_start3A_14 = arith.constant 0 : i32
    %dma_start3A_15 = tpu.memref_slice %arg3[%dma_start3A_13, %dma_start3A_14] : memref<100000x128xf32, #tpu.memory_space<hbm>> -> memref<100000x128xf32, #tpu.memory_space<hbm>>
    tpu.enqueue_indirect_dma source(%dma_start3A_15 : memref<100000x128xf32, #tpu.memory_space<hbm>>) target(%arg7 : memref<128x128xf32, #tpu.memory_space<vmem>>) offsets(%dma_start3A_12 : memref<128xi32, #tpu.memory_space<vmem>>) semaphore(%arg12 : memref<!tpu.dma_semaphore, #tpu.memory_space<semaphore_mem>>)
    %dma_start3A_16 = arith.constant 2 : i32
    %dma_start3A_17 = arith.constant 0 : i32
    %dma_start3A_18 = tpu.memref_slice %arg5[%dma_start3A_16, %dma_start3A_17] : memref<50x128xi32, #tpu.memory_space<vmem>> -> memref<1x128xi32, #tpu.memory_space<vmem>>
    %dma_start3A_19 = tpu.memref_squeeze %dma_start3A_18 : memref<1x128xi32, #tpu.memory_space<vmem>> -> memref<128xi32, #tpu.memory_space<vmem>>
    %dma_start3A_20 = arith.constant 0 : i32
    %dma_start3A_21 = arith.constant 0 : i32
    %dma_start3A_22 = tpu.memref_slice %arg3[%dma_start3A_20, %dma_start3A_21] : memref<100000x128xf32, #tpu.memory_space<hbm>> -> memref<100000x128xf32, #tpu.memory_space<hbm>>
    tpu.enqueue_indirect_dma source(%dma_start3A_22 : memref<100000x128xf32, #tpu.memory_space<hbm>>) target(%arg8 : memref<128x128xf32, #tpu.memory_space<vmem>>) offsets(%dma_start3A_19 : memref<128xi32, #tpu.memory_space<vmem>>) semaphore(%arg13 : memref<!tpu.dma_semaphore, #tpu.memory_space<semaphore_mem>>)
    %dma_start3A_23 = arith.constant 3 : i32
    %dma_start3A_24 = arith.constant 0 : i32
    %dma_start3A_25 = tpu.memref_slice %arg5[%dma_start3A_23, %dma_start3A_24] : memref<50x128xi32, #tpu.memory_space<vmem>> -> memref<1x128xi32, #tpu.memory_space<vmem>>
    %dma_start3A_26 = tpu.memref_squeeze %dma_start3A_25 : memref<1x128xi32, #tpu.memory_space<vmem>> -> memref<128xi32, #tpu.memory_space<vmem>>
    %dma_start3A_27 = arith.constant 0 : i32
    %dma_start3A_28 = arith.constant 0 : i32
    %dma_start3A_29 = tpu.memref_slice %arg3[%dma_start3A_27, %dma_start3A_28] : memref<100000x128xf32, #tpu.memory_space<hbm>> -> memref<100000x128xf32, #tpu.memory_space<hbm>>
    tpu.enqueue_indirect_dma source(%dma_start3A_29 : memref<100000x128xf32, #tpu.memory_space<hbm>>) target(%arg9 : memref<128x128xf32, #tpu.memory_space<vmem>>) offsets(%dma_start3A_26 : memref<128xi32, #tpu.memory_space<vmem>>) semaphore(%arg14 : memref<!tpu.dma_semaphore, #tpu.memory_space<semaphore_mem>>)
    %dma_start3A_30 = arith.constant 4 : i32
    %dma_start3A_31 = arith.constant 0 : i32
    %dma_start3A_32 = tpu.memref_slice %arg5[%dma_start3A_30, %dma_start3A_31] : memref<50x128xi32, #tpu.memory_space<vmem>> -> memref<1x128xi32, #tpu.memory_space<vmem>>
    %dma_start3A_33 = tpu.memref_squeeze %dma_start3A_32 : memref<1x128xi32, #tpu.memory_space<vmem>> -> memref<128xi32, #tpu.memory_space<vmem>>
    %dma_start3A_34 = arith.constant 0 : i32
    %dma_start3A_35 = arith.constant 0 : i32
    %dma_start3A_36 = tpu.memref_slice %arg3[%dma_start3A_34, %dma_start3A_35] : memref<100000x128xf32, #tpu.memory_space<hbm>> -> memref<100000x128xf32, #tpu.memory_space<hbm>>
    tpu.enqueue_indirect_dma source(%dma_start3A_36 : memref<100000x128xf32, #tpu.memory_space<hbm>>) target(%arg10 : memref<128x128xf32, #tpu.memory_space<vmem>>) offsets(%dma_start3A_33 : memref<128xi32, #tpu.memory_space<vmem>>) semaphore(%arg15 : memref<!tpu.dma_semaphore, #tpu.memory_space<semaphore_mem>>)
    %dma_wait3A = arith.constant 0 : i32
    %dma_wait3A_37 = arith.constant 0 : i32
    %dma_wait3A_38 = tpu.memref_slice %arg5[%dma_wait3A, %dma_wait3A_37] : memref<50x128xi32, #tpu.memory_space<vmem>> -> memref<1x128xi32, #tpu.memory_space<vmem>>
    %dma_wait3A_39 = tpu.memref_squeeze %dma_wait3A_38 : memref<1x128xi32, #tpu.memory_space<vmem>> -> memref<128xi32, #tpu.memory_space<vmem>>
    %dma_wait3A_40 = arith.constant 0 : i32
    %dma_wait3A_41 = arith.constant 0 : i32
    %dma_wait3A_42 = tpu.memref_slice %arg3[%dma_wait3A_40, %dma_wait3A_41] : memref<100000x128xf32, #tpu.memory_space<hbm>> -> memref<100000x128xf32, #tpu.memory_space<hbm>>
    tpu.wait_indirect_dma semaphore(%arg11 : memref<!tpu.dma_semaphore, #tpu.memory_space<semaphore_mem>>) src(%dma_wait3A_42 : memref<100000x128xf32, #tpu.memory_space<hbm>>) dst(%arg6 : memref<128x128xf32, #tpu.memory_space<vmem>>)
    %add3A_43 = arith.constant 0 : i32
    %add3A_44 = arith.addi %mul3A_2, %add3A_43 : i32
    %dma_start3A_45 = arith.constant 0 : i32
    %dma_start3A_46 = tpu.memref_slice %arg4[%add3A_44, %dma_start3A_45] : memref<204800x128xf32, #tpu.memory_space<hbm>> -> memref<128x128xf32, #tpu.memory_space<hbm>>
    %dma_start3A_47 = arith.constant 0 : i32
    %dma_start3A_48 = tpu.memref_slice %arg4[%add3A_44, %dma_start3A_47] : memref<204800x128xf32, #tpu.memory_space<hbm>> -> memref<128x128xf32, #tpu.memory_space<hbm>>
    tpu.enqueue_dma source(%arg6 : memref<128x128xf32, #tpu.memory_space<vmem>>) target(%dma_start3A_48 : memref<128x128xf32, #tpu.memory_space<hbm>>) target_semaphore(%arg16 : memref<!tpu.dma_semaphore, #tpu.memory_space<semaphore_mem>>)
    %dma_wait3A_49 = arith.constant 1 : i32
    %dma_wait3A_50 = arith.constant 0 : i32
    %dma_wait3A_51 = tpu.memref_slice %arg5[%dma_wait3A_49, %dma_wait3A_50] : memref<50x128xi32, #tpu.memory_space<vmem>> -> memref<1x128xi32, #tpu.memory_space<vmem>>
    %dma_wait3A_52 = tpu.memref_squeeze %dma_wait3A_51 : memref<1x128xi32, #tpu.memory_space<vmem>> -> memref<128xi32, #tpu.memory_space<vmem>>
    %dma_wait3A_53 = arith.constant 0 : i32
    %dma_wait3A_54 = arith.constant 0 : i32
    %dma_wait3A_55 = tpu.memref_slice %arg3[%dma_wait3A_53, %dma_wait3A_54] : memref<100000x128xf32, #tpu.memory_space<hbm>> -> memref<100000x128xf32, #tpu.memory_space<hbm>>
    tpu.wait_indirect_dma semaphore(%arg12 : memref<!tpu.dma_semaphore, #tpu.memory_space<semaphore_mem>>) src(%dma_wait3A_55 : memref<100000x128xf32, #tpu.memory_space<hbm>>) dst(%arg7 : memref<128x128xf32, #tpu.memory_space<vmem>>)
    %add3A_56 = arith.constant 128 : i32
    %add3A_57 = arith.addi %mul3A_2, %add3A_56 : i32
    %dma_start3A_58 = arith.constant 0 : i32
    %dma_start3A_59 = tpu.memref_slice %arg4[%add3A_57, %dma_start3A_58] : memref<204800x128xf32, #tpu.memory_space<hbm>> -> memref<128x128xf32, #tpu.memory_space<hbm>>
    %dma_start3A_60 = arith.constant 0 : i32
    %dma_start3A_61 = tpu.memref_slice %arg4[%add3A_57, %dma_start3A_60] : memref<204800x128xf32, #tpu.memory_space<hbm>> -> memref<128x128xf32, #tpu.memory_space<hbm>>
    tpu.enqueue_dma source(%arg7 : memref<128x128xf32, #tpu.memory_space<vmem>>) target(%dma_start3A_61 : memref<128x128xf32, #tpu.memory_space<hbm>>) target_semaphore(%arg17 : memref<!tpu.dma_semaphore, #tpu.memory_space<semaphore_mem>>)
    %add3A_62 = arith.constant 0 : i32
    %add3A_63 = arith.addi %mul3A_2, %add3A_62 : i32
    %dma_wait3A_64 = arith.constant 0 : i32
    %dma_wait3A_65 = tpu.memref_slice %arg4[%add3A_63, %dma_wait3A_64] : memref<204800x128xf32, #tpu.memory_space<hbm>> -> memref<128x128xf32, #tpu.memory_space<hbm>>
    %dma_wait3A_66 = arith.constant 0 : i32
    %dma_wait3A_67 = tpu.memref_slice %arg4[%add3A_63, %dma_wait3A_66] : memref<204800x128xf32, #tpu.memory_space<hbm>> -> memref<128x128xf32, #tpu.memory_space<hbm>>
    tpu.wait_dma2 semaphore(%arg16 : memref<!tpu.dma_semaphore, #tpu.memory_space<semaphore_mem>>) src(%arg6 : memref<128x128xf32, #tpu.memory_space<vmem>>) dst(%dma_wait3A_67 : memref<128x128xf32, #tpu.memory_space<hbm>>)
    %dma_start3A_68 = arith.constant 5 : i32
    %dma_start3A_69 = arith.constant 0 : i32
    %dma_start3A_70 = tpu.memref_slice %arg5[%dma_start3A_68, %dma_start3A_69] : memref<50x128xi32, #tpu.memory_space<vmem>> -> memref<1x128xi32, #tpu.memory_space<vmem>>
    %dma_start3A_71 = tpu.memref_squeeze %dma_start3A_70 : memref<1x128xi32, #tpu.memory_space<vmem>> -> memref<128xi32, #tpu.memory_space<vmem>>
    %dma_start3A_72 = arith.constant 0 : i32
    %dma_start3A_73 = arith.constant 0 : i32
    %dma_start3A_74 = tpu.memref_slice %arg3[%dma_start3A_72, %dma_start3A_73] : memref<100000x128xf32, #tpu.memory_space<hbm>> -> memref<100000x128xf32, #tpu.memory_space<hbm>>
    tpu.enqueue_indirect_dma source(%dma_start3A_74 : memref<100000x128xf32, #tpu.memory_space<hbm>>) target(%arg6 : memref<128x128xf32, #tpu.memory_space<vmem>>) offsets(%dma_start3A_71 : memref<128xi32, #tpu.memory_space<vmem>>) semaphore(%arg11 : memref<!tpu.dma_semaphore, #tpu.memory_space<semaphore_mem>>)
    %dma_wait3A_75 = arith.constant 2 : i32
    %dma_wait3A_76 = arith.constant 0 : i32
    %dma_wait3A_77 = tpu.memref_slice %arg5[%dma_wait3A_75, %dma_wait3A_76] : memref<50x128xi32, #tpu.memory_space<vmem>> -> memref<1x128xi32, #tpu.memory_space<vmem>>
    %dma_wait3A_78 = tpu.memref_squeeze %dma_wait3A_77 : memref<1x128xi32, #tpu.memory_space<vmem>> -> memref<128xi32, #tpu.memory_space<vmem>>
    %dma_wait3A_79 = arith.constant 0 : i32
    %dma_wait3A_80 = arith.constant 0 : i32
    %dma_wait3A_81 = tpu.memref_slice %arg3[%dma_wait3A_79, %dma_wait3A_80] : memref<100000x128xf32, #tpu.memory_space<hbm>> -> memref<100000x128xf32, #tpu.memory_space<hbm>>
    tpu.wait_indirect_dma semaphore(%arg13 : memref<!tpu.dma_semaphore, #tpu.memory_space<semaphore_mem>>) src(%dma_wait3A_81 : memref<100000x128xf32, #tpu.memory_space<hbm>>) dst(%arg8 : memref<128x128xf32, #tpu.memory_space<vmem>>)
    %add3A_82 = arith.constant 256 : i32
    %add3A_83 = arith.addi %mul3A_2, %add3A_82 : i32
    %dma_start3A_84 = arith.constant 0 : i32
    %dma_start3A_85 = tpu.memref_slice %arg4[%add3A_83, %dma_start3A_84] : memref<204800x128xf32, #tpu.memory_space<hbm>> -> memref<128x128xf32, #tpu.memory_space<hbm>>
    %dma_start3A_86 = arith.constant 0 : i32
    %dma_start3A_87 = tpu.memref_slice %arg4[%add3A_83, %dma_start3A_86] : memref<204800x128xf32, #tpu.memory_space<hbm>> -> memref<128x128xf32, #tpu.memory_space<hbm>>
    tpu.enqueue_dma source(%arg8 : memref<128x128xf32, #tpu.memory_space<vmem>>) target(%dma_start3A_87 : memref<128x128xf32, #tpu.memory_space<hbm>>) target_semaphore(%arg18 : memref<!tpu.dma_semaphore, #tpu.memory_space<semaphore_mem>>)
    %add3A_88 = arith.constant 128 : i32
    %add3A_89 = arith.addi %mul3A_2, %add3A_88 : i32
    %dma_wait3A_90 = arith.constant 0 : i32
    %dma_wait3A_91 = tpu.memref_slice %arg4[%add3A_89, %dma_wait3A_90] : memref<204800x128xf32, #tpu.memory_space<hbm>> -> memref<128x128xf32, #tpu.memory_space<hbm>>
    %dma_wait3A_92 = arith.constant 0 : i32
    %dma_wait3A_93 = tpu.memref_slice %arg4[%add3A_89, %dma_wait3A_92] : memref<204800x128xf32, #tpu.memory_space<hbm>> -> memref<128x128xf32, #tpu.memory_space<hbm>>
    tpu.wait_dma2 semaphore(%arg17 : memref<!tpu.dma_semaphore, #tpu.memory_space<semaphore_mem>>) src(%arg7 : memref<128x128xf32, #tpu.memory_space<vmem>>) dst(%dma_wait3A_93 : memref<128x128xf32, #tpu.memory_space<hbm>>)
    %dma_start3A_94 = arith.constant 6 : i32
    %dma_start3A_95 = arith.constant 0 : i32
    %dma_start3A_96 = tpu.memref_slice %arg5[%dma_start3A_94, %dma_start3A_95] : memref<50x128xi32, #tpu.memory_space<vmem>> -> memref<1x128xi32, #tpu.memory_space<vmem>>
    %dma_start3A_97 = tpu.memref_squeeze %dma_start3A_96 : memref<1x128xi32, #tpu.memory_space<vmem>> -> memref<128xi32, #tpu.memory_space<vmem>>
    %dma_start3A_98 = arith.constant 0 : i32
    %dma_start3A_99 = arith.constant 0 : i32
    %dma_start3A_100 = tpu.memref_slice %arg3[%dma_start3A_98, %dma_start3A_99] : memref<100000x128xf32, #tpu.memory_space<hbm>> -> memref<100000x128xf32, #tpu.memory_space<hbm>>
    tpu.enqueue_indirect_dma source(%dma_start3A_100 : memref<100000x128xf32, #tpu.memory_space<hbm>>) target(%arg7 : memref<128x128xf32, #tpu.memory_space<vmem>>) offsets(%dma_start3A_97 : memref<128xi32, #tpu.memory_space<vmem>>) semaphore(%arg12 : memref<!tpu.dma_semaphore, #tpu.memory_space<semaphore_mem>>)
    %dma_wait3A_101 = arith.constant 3 : i32
    %dma_wait3A_102 = arith.constant 0 : i32
    %dma_wait3A_103 = tpu.memref_slice %arg5[%dma_wait3A_101, %dma_wait3A_102] : memref<50x128xi32, #tpu.memory_space<vmem>> -> memref<1x128xi32, #tpu.memory_space<vmem>>
    %dma_wait3A_104 = tpu.memref_squeeze %dma_wait3A_103 : memref<1x128xi32, #tpu.memory_space<vmem>> -> memref<128xi32, #tpu.memory_space<vmem>>
    %dma_wait3A_105 = arith.constant 0 : i32
    %dma_wait3A_106 = arith.constant 0 : i32
    %dma_wait3A_107 = tpu.memref_slice %arg3[%dma_wait3A_105, %dma_wait3A_106] : memref<100000x128xf32, #tpu.memory_space<hbm>> -> memref<100000x128xf32, #tpu.memory_space<hbm>>
    tpu.wait_indirect_dma semaphore(%arg14 : memref<!tpu.dma_semaphore, #tpu.memory_space<semaphore_mem>>) src(%dma_wait3A_107 : memref<100000x128xf32, #tpu.memory_space<hbm>>) dst(%arg9 : memref<128x128xf32, #tpu.memory_space<vmem>>)
    %add3A_108 = arith.constant 384 : i32
    %add3A_109 = arith.addi %mul3A_2, %add3A_108 : i32
    %dma_start3A_110 = arith.constant 0 : i32
    %dma_start3A_111 = tpu.memref_slice %arg4[%add3A_109, %dma_start3A_110] : memref<204800x128xf32, #tpu.memory_space<hbm>> -> memref<128x128xf32, #tpu.memory_space<hbm>>
    %dma_start3A_112 = arith.constant 0 : i32
    %dma_start3A_113 = tpu.memref_slice %arg4[%add3A_109, %dma_start3A_112] : memref<204800x128xf32, #tpu.memory_space<hbm>> -> memref<128x128xf32, #tpu.memory_space<hbm>>
    tpu.enqueue_dma source(%arg9 : memref<128x128xf32, #tpu.memory_space<vmem>>) target(%dma_start3A_113 : memref<128x128xf32, #tpu.memory_space<hbm>>) target_semaphore(%arg19 : memref<!tpu.dma_semaphore, #tpu.memory_space<semaphore_mem>>)
    %add3A_114 = arith.constant 256 : i32
    %add3A_115 = arith.addi %mul3A_2, %add3A_114 : i32
    %dma_wait3A_116 = arith.constant 0 : i32
    %dma_wait3A_117 = tpu.memref_slice %arg4[%add3A_115, %dma_wait3A_116] : memref<204800x128xf32, #tpu.memory_space<hbm>> -> memref<128x128xf32, #tpu.memory_space<hbm>>
    %dma_wait3A_118 = arith.constant 0 : i32
    %dma_wait3A_119 = tpu.memref_slice %arg4[%add3A_115, %dma_wait3A_118] : memref<204800x128xf32, #tpu.memory_space<hbm>> -> memref<128x128xf32, #tpu.memory_space<hbm>>
    tpu.wait_dma2 semaphore(%arg18 : memref<!tpu.dma_semaphore, #tpu.memory_space<semaphore_mem>>) src(%arg8 : memref<128x128xf32, #tpu.memory_space<vmem>>) dst(%dma_wait3A_119 : memref<128x128xf32, #tpu.memory_space<hbm>>)
    %dma_start3A_120 = arith.constant 7 : i32
    %dma_start3A_121 = arith.constant 0 : i32
    %dma_start3A_122 = tpu.memref_slice %arg5[%dma_start3A_120, %dma_start3A_121] : memref<50x128xi32, #tpu.memory_space<vmem>> -> memref<1x128xi32, #tpu.memory_space<vmem>>
    %dma_start3A_123 = tpu.memref_squeeze %dma_start3A_122 : memref<1x128xi32, #tpu.memory_space<vmem>> -> memref<128xi32, #tpu.memory_space<vmem>>
    %dma_start3A_124 = arith.constant 0 : i32
    %dma_start3A_125 = arith.constant 0 : i32
    %dma_start3A_126 = tpu.memref_slice %arg3[%dma_start3A_124, %dma_start3A_125] : memref<100000x128xf32, #tpu.memory_space<hbm>> -> memref<100000x128xf32, #tpu.memory_space<hbm>>
    tpu.enqueue_indirect_dma source(%dma_start3A_126 : memref<100000x128xf32, #tpu.memory_space<hbm>>) target(%arg8 : memref<128x128xf32, #tpu.memory_space<vmem>>) offsets(%dma_start3A_123 : memref<128xi32, #tpu.memory_space<vmem>>) semaphore(%arg13 : memref<!tpu.dma_semaphore, #tpu.memory_space<semaphore_mem>>)
    %dma_wait3A_127 = arith.constant 4 : i32
    %dma_wait3A_128 = arith.constant 0 : i32
    %dma_wait3A_129 = tpu.memref_slice %arg5[%dma_wait3A_127, %dma_wait3A_128] : memref<50x128xi32, #tpu.memory_space<vmem>> -> memref<1x128xi32, #tpu.memory_space<vmem>>
    %dma_wait3A_130 = tpu.memref_squeeze %dma_wait3A_129 : memref<1x128xi32, #tpu.memory_space<vmem>> -> memref<128xi32, #tpu.memory_space<vmem>>
    %dma_wait3A_131 = arith.constant 0 : i32
    %dma_wait3A_132 = arith.constant 0 : i32
    %dma_wait3A_133 = tpu.memref_slice %arg3[%dma_wait3A_131, %dma_wait3A_132] : memref<100000x128xf32, #tpu.memory_space<hbm>> -> memref<100000x128xf32, #tpu.memory_space<hbm>>
    tpu.wait_indirect_dma semaphore(%arg15 : memref<!tpu.dma_semaphore, #tpu.memory_space<semaphore_mem>>) src(%dma_wait3A_133 : memref<100000x128xf32, #tpu.memory_space<hbm>>) dst(%arg10 : memref<128x128xf32, #tpu.memory_space<vmem>>)
    %add3A_134 = arith.constant 512 : i32
    %add3A_135 = arith.addi %mul3A_2, %add3A_134 : i32
    %dma_start3A_136 = arith.constant 0 : i32
    %dma_start3A_137 = tpu.memref_slice %arg4[%add3A_135, %dma_start3A_136] : memref<204800x128xf32, #tpu.memory_space<hbm>> -> memref<128x128xf32, #tpu.memory_space<hbm>>
    %dma_start3A_138 = arith.constant 0 : i32
    %dma_start3A_139 = tpu.memref_slice %arg4[%add3A_135, %dma_start3A_138] : memref<204800x128xf32, #tpu.memory_space<hbm>> -> memref<128x128xf32, #tpu.memory_space<hbm>>
    tpu.enqueue_dma source(%arg10 : memref<128x128xf32, #tpu.memory_space<vmem>>) target(%dma_start3A_139 : memref<128x128xf32, #tpu.memory_space<hbm>>) target_semaphore(%arg20 : memref<!tpu.dma_semaphore, #tpu.memory_space<semaphore_mem>>)
    %add3A_140 = arith.constant 384 : i32
    %add3A_141 = arith.addi %mul3A_2, %add3A_140 : i32
    %dma_wait3A_142 = arith.constant 0 : i32
    %dma_wait3A_143 = tpu.memref_slice %arg4[%add3A_141, %dma_wait3A_142] : memref<204800x128xf32, #tpu.memory_space<hbm>> -> memref<128x128xf32, #tpu.memory_space<hbm>>
    %dma_wait3A_144 = arith.constant 0 : i32
    %dma_wait3A_145 = tpu.memref_slice %arg4[%add3A_141, %dma_wait3A_144] : memref<204800x128xf32, #tpu.memory_space<hbm>> -> memref<128x128xf32, #tpu.memory_space<hbm>>
    tpu.wait_dma2 semaphore(%arg19 : memref<!tpu.dma_semaphore, #tpu.memory_space<semaphore_mem>>) src(%arg9 : memref<128x128xf32, #tpu.memory_space<vmem>>) dst(%dma_wait3A_145 : memref<128x128xf32, #tpu.memory_space<hbm>>)
    %dma_start3A_146 = arith.constant 8 : i32
    %dma_start3A_147 = arith.constant 0 : i32
    %dma_start3A_148 = tpu.memref_slice %arg5[%dma_start3A_146, %dma_start3A_147] : memref<50x128xi32, #tpu.memory_space<vmem>> -> memref<1x128xi32, #tpu.memory_space<vmem>>
    %dma_start3A_149 = tpu.memref_squeeze %dma_start3A_148 : memref<1x128xi32, #tpu.memory_space<vmem>> -> memref<128xi32, #tpu.memory_space<vmem>>
    %dma_start3A_150 = arith.constant 0 : i32
    %dma_start3A_151 = arith.constant 0 : i32
    %dma_start3A_152 = tpu.memref_slice %arg3[%dma_start3A_150, %dma_start3A_151] : memref<100000x128xf32, #tpu.memory_space<hbm>> -> memref<100000x128xf32, #tpu.memory_space<hbm>>
    tpu.enqueue_indirect_dma source(%dma_start3A_152 : memref<100000x128xf32, #tpu.memory_space<hbm>>) target(%arg9 : memref<128x128xf32, #tpu.memory_space<vmem>>) offsets(%dma_start3A_149 : memref<128xi32, #tpu.memory_space<vmem>>) semaphore(%arg14 : memref<!tpu.dma_semaphore, #tpu.memory_space<semaphore_mem>>)
    %scan3A = arith.constant 0 : i32
    %scan3A_153 = arith.constant 1 : i32
    %scan3A_154 = arith.constant 8 : i32
    %scan3A_155 = arith.addi %scan3A_153, %scan3A_154 : i32
    %scan3A_156 = arith.constant 1 : i32
    scf.for %scan3A_266 = %scan3A_153 to %scan3A_155 step %scan3A_156  : i32 {
      %mul3A_267 = arith.constant 5 : i32
      %mul3A_268 = arith.muli %scan3A_266, %mul3A_267 : i32
      %add3A_269 = arith.constant 0 : i32
      %add3A_270 = arith.addi %mul3A_268, %add3A_269 : i32
      %dma_wait3A_271 = arith.constant 0 : i32
      %dma_wait3A_272 = tpu.memref_slice %arg5[%add3A_270, %dma_wait3A_271] : memref<50x128xi32, #tpu.memory_space<vmem>> -> memref<1x128xi32, #tpu.memory_space<vmem>>
      %dma_wait3A_273 = tpu.memref_squeeze %dma_wait3A_272 : memref<1x128xi32, #tpu.memory_space<vmem>> -> memref<128xi32, #tpu.memory_space<vmem>>
      %dma_wait3A_274 = arith.constant 0 : i32
      %dma_wait3A_275 = arith.constant 0 : i32
      %dma_wait3A_276 = tpu.memref_slice %arg3[%dma_wait3A_274, %dma_wait3A_275] : memref<100000x128xf32, #tpu.memory_space<hbm>> -> memref<100000x128xf32, #tpu.memory_space<hbm>>
      tpu.wait_indirect_dma semaphore(%arg11 : memref<!tpu.dma_semaphore, #tpu.memory_space<semaphore_mem>>) src(%dma_wait3A_276 : memref<100000x128xf32, #tpu.memory_space<hbm>>) dst(%arg6 : memref<128x128xf32, #tpu.memory_space<vmem>>)
      %mul3A_277 = arith.constant 128 : i32
      %mul3A_278 = arith.muli %add3A_270, %mul3A_277 : i32
      %add3A_279 = arith.addi %mul3A_2, %mul3A_278 : i32
      %dma_start3A_280 = arith.constant 0 : i32
      %dma_start3A_281 = tpu.memref_slice %arg4[%add3A_279, %dma_start3A_280] : memref<204800x128xf32, #tpu.memory_space<hbm>> -> memref<128x128xf32, #tpu.memory_space<hbm>>
      %dma_start3A_282 = arith.constant 0 : i32
      %dma_start3A_283 = tpu.memref_slice %arg4[%add3A_279, %dma_start3A_282] : memref<204800x128xf32, #tpu.memory_space<hbm>> -> memref<128x128xf32, #tpu.memory_space<hbm>>
      tpu.enqueue_dma source(%arg6 : memref<128x128xf32, #tpu.memory_space<vmem>>) target(%dma_start3A_283 : memref<128x128xf32, #tpu.memory_space<hbm>>) target_semaphore(%arg16 : memref<!tpu.dma_semaphore, #tpu.memory_space<semaphore_mem>>)
      %sub3A = arith.constant 1 : i32
      %sub3A_284 = arith.subi %add3A_270, %sub3A : i32
      %mul3A_285 = arith.constant 128 : i32
      %mul3A_286 = arith.muli %sub3A_284, %mul3A_285 : i32
      %add3A_287 = arith.addi %mul3A_2, %mul3A_286 : i32
      %dma_wait3A_288 = arith.constant 0 : i32
      %dma_wait3A_289 = tpu.memref_slice %arg4[%add3A_287, %dma_wait3A_288] : memref<204800x128xf32, #tpu.memory_space<hbm>> -> memref<128x128xf32, #tpu.memory_space<hbm>>
      %dma_wait3A_290 = arith.constant 0 : i32
      %dma_wait3A_291 = tpu.memref_slice %arg4[%add3A_287, %dma_wait3A_290] : memref<204800x128xf32, #tpu.memory_space<hbm>> -> memref<128x128xf32, #tpu.memory_space<hbm>>
      tpu.wait_dma2 semaphore(%arg20 : memref<!tpu.dma_semaphore, #tpu.memory_space<semaphore_mem>>) src(%arg10 : memref<128x128xf32, #tpu.memory_space<vmem>>) dst(%dma_wait3A_291 : memref<128x128xf32, #tpu.memory_space<hbm>>)
      %add3A_292 = arith.constant 5 : i32
      %add3A_293 = arith.addi %add3A_270, %add3A_292 : i32
      %sub3A_294 = arith.constant 1 : i32
      %sub3A_295 = arith.subi %add3A_293, %sub3A_294 : i32
      %dma_start3A_296 = arith.constant 0 : i32
      %dma_start3A_297 = tpu.memref_slice %arg5[%sub3A_295, %dma_start3A_296] : memref<50x128xi32, #tpu.memory_space<vmem>> -> memref<1x128xi32, #tpu.memory_space<vmem>>
      %dma_start3A_298 = tpu.memref_squeeze %dma_start3A_297 : memref<1x128xi32, #tpu.memory_space<vmem>> -> memref<128xi32, #tpu.memory_space<vmem>>
      %dma_start3A_299 = arith.constant 0 : i32
      %dma_start3A_300 = arith.constant 0 : i32
      %dma_start3A_301 = tpu.memref_slice %arg3[%dma_start3A_299, %dma_start3A_300] : memref<100000x128xf32, #tpu.memory_space<hbm>> -> memref<100000x128xf32, #tpu.memory_space<hbm>>
      tpu.enqueue_indirect_dma source(%dma_start3A_301 : memref<100000x128xf32, #tpu.memory_space<hbm>>) target(%arg10 : memref<128x128xf32, #tpu.memory_space<vmem>>) offsets(%dma_start3A_298 : memref<128xi32, #tpu.memory_space<vmem>>) semaphore(%arg15 : memref<!tpu.dma_semaphore, #tpu.memory_space<semaphore_mem>>)
      %add3A_302 = arith.constant 1 : i32
      %add3A_303 = arith.addi %mul3A_268, %add3A_302 : i32
      %dma_wait3A_304 = arith.constant 0 : i32
      %dma_wait3A_305 = tpu.memref_slice %arg5[%add3A_303, %dma_wait3A_304] : memref<50x128xi32, #tpu.memory_space<vmem>> -> memref<1x128xi32, #tpu.memory_space<vmem>>
      %dma_wait3A_306 = tpu.memref_squeeze %dma_wait3A_305 : memref<1x128xi32, #tpu.memory_space<vmem>> -> memref<128xi32, #tpu.memory_space<vmem>>
      %dma_wait3A_307 = arith.constant 0 : i32
      %dma_wait3A_308 = arith.constant 0 : i32
      %dma_wait3A_309 = tpu.memref_slice %arg3[%dma_wait3A_307, %dma_wait3A_308] : memref<100000x128xf32, #tpu.memory_space<hbm>> -> memref<100000x128xf32, #tpu.memory_space<hbm>>
      tpu.wait_indirect_dma semaphore(%arg12 : memref<!tpu.dma_semaphore, #tpu.memory_space<semaphore_mem>>) src(%dma_wait3A_309 : memref<100000x128xf32, #tpu.memory_space<hbm>>) dst(%arg7 : memref<128x128xf32, #tpu.memory_space<vmem>>)
      %mul3A_310 = arith.constant 128 : i32
      %mul3A_311 = arith.muli %add3A_303, %mul3A_310 : i32
      %add3A_312 = arith.addi %mul3A_2, %mul3A_311 : i32
      %dma_start3A_313 = arith.constant 0 : i32
      %dma_start3A_314 = tpu.memref_slice %arg4[%add3A_312, %dma_start3A_313] : memref<204800x128xf32, #tpu.memory_space<hbm>> -> memref<128x128xf32, #tpu.memory_space<hbm>>
      %dma_start3A_315 = arith.constant 0 : i32
      %dma_start3A_316 = tpu.memref_slice %arg4[%add3A_312, %dma_start3A_315] : memref<204800x128xf32, #tpu.memory_space<hbm>> -> memref<128x128xf32, #tpu.memory_space<hbm>>
      tpu.enqueue_dma source(%arg7 : memref<128x128xf32, #tpu.memory_space<vmem>>) target(%dma_start3A_316 : memref<128x128xf32, #tpu.memory_space<hbm>>) target_semaphore(%arg17 : memref<!tpu.dma_semaphore, #tpu.memory_space<semaphore_mem>>)
      %sub3A_317 = arith.constant 1 : i32
      %sub3A_318 = arith.subi %add3A_303, %sub3A_317 : i32
      %mul3A_319 = arith.constant 128 : i32
      %mul3A_320 = arith.muli %sub3A_318, %mul3A_319 : i32
      %add3A_321 = arith.addi %mul3A_2, %mul3A_320 : i32
      %dma_wait3A_322 = arith.constant 0 : i32
      %dma_wait3A_323 = tpu.memref_slice %arg4[%add3A_321, %dma_wait3A_322] : memref<204800x128xf32, #tpu.memory_space<hbm>> -> memref<128x128xf32, #tpu.memory_space<hbm>>
      %dma_wait3A_324 = arith.constant 0 : i32
      %dma_wait3A_325 = tpu.memref_slice %arg4[%add3A_321, %dma_wait3A_324] : memref<204800x128xf32, #tpu.memory_space<hbm>> -> memref<128x128xf32, #tpu.memory_space<hbm>>
      tpu.wait_dma2 semaphore(%arg16 : memref<!tpu.dma_semaphore, #tpu.memory_space<semaphore_mem>>) src(%arg6 : memref<128x128xf32, #tpu.memory_space<vmem>>) dst(%dma_wait3A_325 : memref<128x128xf32, #tpu.memory_space<hbm>>)
      %add3A_326 = arith.constant 5 : i32
      %add3A_327 = arith.addi %add3A_303, %add3A_326 : i32
      %sub3A_328 = arith.constant 1 : i32
      %sub3A_329 = arith.subi %add3A_327, %sub3A_328 : i32
      %dma_start3A_330 = arith.constant 0 : i32
      %dma_start3A_331 = tpu.memref_slice %arg5[%sub3A_329, %dma_start3A_330] : memref<50x128xi32, #tpu.memory_space<vmem>> -> memref<1x128xi32, #tpu.memory_space<vmem>>
      %dma_start3A_332 = tpu.memref_squeeze %dma_start3A_331 : memref<1x128xi32, #tpu.memory_space<vmem>> -> memref<128xi32, #tpu.memory_space<vmem>>
      %dma_start3A_333 = arith.constant 0 : i32
      %dma_start3A_334 = arith.constant 0 : i32
      %dma_start3A_335 = tpu.memref_slice %arg3[%dma_start3A_333, %dma_start3A_334] : memref<100000x128xf32, #tpu.memory_space<hbm>> -> memref<100000x128xf32, #tpu.memory_space<hbm>>
      tpu.enqueue_indirect_dma source(%dma_start3A_335 : memref<100000x128xf32, #tpu.memory_space<hbm>>) target(%arg6 : memref<128x128xf32, #tpu.memory_space<vmem>>) offsets(%dma_start3A_332 : memref<128xi32, #tpu.memory_space<vmem>>) semaphore(%arg11 : memref<!tpu.dma_semaphore, #tpu.memory_space<semaphore_mem>>)
      %add3A_336 = arith.constant 2 : i32
      %add3A_337 = arith.addi %mul3A_268, %add3A_336 : i32
      %dma_wait3A_338 = arith.constant 0 : i32
      %dma_wait3A_339 = tpu.memref_slice %arg5[%add3A_337, %dma_wait3A_338] : memref<50x128xi32, #tpu.memory_space<vmem>> -> memref<1x128xi32, #tpu.memory_space<vmem>>
      %dma_wait3A_340 = tpu.memref_squeeze %dma_wait3A_339 : memref<1x128xi32, #tpu.memory_space<vmem>> -> memref<128xi32, #tpu.memory_space<vmem>>
      %dma_wait3A_341 = arith.constant 0 : i32
      %dma_wait3A_342 = arith.constant 0 : i32
      %dma_wait3A_343 = tpu.memref_slice %arg3[%dma_wait3A_341, %dma_wait3A_342] : memref<100000x128xf32, #tpu.memory_space<hbm>> -> memref<100000x128xf32, #tpu.memory_space<hbm>>
      tpu.wait_indirect_dma semaphore(%arg13 : memref<!tpu.dma_semaphore, #tpu.memory_space<semaphore_mem>>) src(%dma_wait3A_343 : memref<100000x128xf32, #tpu.memory_space<hbm>>) dst(%arg8 : memref<128x128xf32, #tpu.memory_space<vmem>>)
      %mul3A_344 = arith.constant 128 : i32
      %mul3A_345 = arith.muli %add3A_337, %mul3A_344 : i32
      %add3A_346 = arith.addi %mul3A_2, %mul3A_345 : i32
      %dma_start3A_347 = arith.constant 0 : i32
      %dma_start3A_348 = tpu.memref_slice %arg4[%add3A_346, %dma_start3A_347] : memref<204800x128xf32, #tpu.memory_space<hbm>> -> memref<128x128xf32, #tpu.memory_space<hbm>>
      %dma_start3A_349 = arith.constant 0 : i32
      %dma_start3A_350 = tpu.memref_slice %arg4[%add3A_346, %dma_start3A_349] : memref<204800x128xf32, #tpu.memory_space<hbm>> -> memref<128x128xf32, #tpu.memory_space<hbm>>
      tpu.enqueue_dma source(%arg8 : memref<128x128xf32, #tpu.memory_space<vmem>>) target(%dma_start3A_350 : memref<128x128xf32, #tpu.memory_space<hbm>>) target_semaphore(%arg18 : memref<!tpu.dma_semaphore, #tpu.memory_space<semaphore_mem>>)
      %sub3A_351 = arith.constant 1 : i32
      %sub3A_352 = arith.subi %add3A_337, %sub3A_351 : i32
      %mul3A_353 = arith.constant 128 : i32
      %mul3A_354 = arith.muli %sub3A_352, %mul3A_353 : i32
      %add3A_355 = arith.addi %mul3A_2, %mul3A_354 : i32
      %dma_wait3A_356 = arith.constant 0 : i32
      %dma_wait3A_357 = tpu.memref_slice %arg4[%add3A_355, %dma_wait3A_356] : memref<204800x128xf32, #tpu.memory_space<hbm>> -> memref<128x128xf32, #tpu.memory_space<hbm>>
      %dma_wait3A_358 = arith.constant 0 : i32
      %dma_wait3A_359 = tpu.memref_slice %arg4[%add3A_355, %dma_wait3A_358] : memref<204800x128xf32, #tpu.memory_space<hbm>> -> memref<128x128xf32, #tpu.memory_space<hbm>>
      tpu.wait_dma2 semaphore(%arg17 : memref<!tpu.dma_semaphore, #tpu.memory_space<semaphore_mem>>) src(%arg7 : memref<128x128xf32, #tpu.memory_space<vmem>>) dst(%dma_wait3A_359 : memref<128x128xf32, #tpu.memory_space<hbm>>)
      %add3A_360 = arith.constant 5 : i32
      %add3A_361 = arith.addi %add3A_337, %add3A_360 : i32
      %sub3A_362 = arith.constant 1 : i32
      %sub3A_363 = arith.subi %add3A_361, %sub3A_362 : i32
      %dma_start3A_364 = arith.constant 0 : i32
      %dma_start3A_365 = tpu.memref_slice %arg5[%sub3A_363, %dma_start3A_364] : memref<50x128xi32, #tpu.memory_space<vmem>> -> memref<1x128xi32, #tpu.memory_space<vmem>>
      %dma_start3A_366 = tpu.memref_squeeze %dma_start3A_365 : memref<1x128xi32, #tpu.memory_space<vmem>> -> memref<128xi32, #tpu.memory_space<vmem>>
      %dma_start3A_367 = arith.constant 0 : i32
      %dma_start3A_368 = arith.constant 0 : i32
      %dma_start3A_369 = tpu.memref_slice %arg3[%dma_start3A_367, %dma_start3A_368] : memref<100000x128xf32, #tpu.memory_space<hbm>> -> memref<100000x128xf32, #tpu.memory_space<hbm>>
      tpu.enqueue_indirect_dma source(%dma_start3A_369 : memref<100000x128xf32, #tpu.memory_space<hbm>>) target(%arg7 : memref<128x128xf32, #tpu.memory_space<vmem>>) offsets(%dma_start3A_366 : memref<128xi32, #tpu.memory_space<vmem>>) semaphore(%arg12 : memref<!tpu.dma_semaphore, #tpu.memory_space<semaphore_mem>>)
      %add3A_370 = arith.constant 3 : i32
      %add3A_371 = arith.addi %mul3A_268, %add3A_370 : i32
      %dma_wait3A_372 = arith.constant 0 : i32
      %dma_wait3A_373 = tpu.memref_slice %arg5[%add3A_371, %dma_wait3A_372] : memref<50x128xi32, #tpu.memory_space<vmem>> -> memref<1x128xi32, #tpu.memory_space<vmem>>
      %dma_wait3A_374 = tpu.memref_squeeze %dma_wait3A_373 : memref<1x128xi32, #tpu.memory_space<vmem>> -> memref<128xi32, #tpu.memory_space<vmem>>
      %dma_wait3A_375 = arith.constant 0 : i32
      %dma_wait3A_376 = arith.constant 0 : i32
      %dma_wait3A_377 = tpu.memref_slice %arg3[%dma_wait3A_375, %dma_wait3A_376] : memref<100000x128xf32, #tpu.memory_space<hbm>> -> memref<100000x128xf32, #tpu.memory_space<hbm>>
      tpu.wait_indirect_dma semaphore(%arg14 : memref<!tpu.dma_semaphore, #tpu.memory_space<semaphore_mem>>) src(%dma_wait3A_377 : memref<100000x128xf32, #tpu.memory_space<hbm>>) dst(%arg9 : memref<128x128xf32, #tpu.memory_space<vmem>>)
      %mul3A_378 = arith.constant 128 : i32
      %mul3A_379 = arith.muli %add3A_371, %mul3A_378 : i32
      %add3A_380 = arith.addi %mul3A_2, %mul3A_379 : i32
      %dma_start3A_381 = arith.constant 0 : i32
      %dma_start3A_382 = tpu.memref_slice %arg4[%add3A_380, %dma_start3A_381] : memref<204800x128xf32, #tpu.memory_space<hbm>> -> memref<128x128xf32, #tpu.memory_space<hbm>>
      %dma_start3A_383 = arith.constant 0 : i32
      %dma_start3A_384 = tpu.memref_slice %arg4[%add3A_380, %dma_start3A_383] : memref<204800x128xf32, #tpu.memory_space<hbm>> -> memref<128x128xf32, #tpu.memory_space<hbm>>
      tpu.enqueue_dma source(%arg9 : memref<128x128xf32, #tpu.memory_space<vmem>>) target(%dma_start3A_384 : memref<128x128xf32, #tpu.memory_space<hbm>>) target_semaphore(%arg19 : memref<!tpu.dma_semaphore, #tpu.memory_space<semaphore_mem>>)
      %sub3A_385 = arith.constant 1 : i32
      %sub3A_386 = arith.subi %add3A_371, %sub3A_385 : i32
      %mul3A_387 = arith.constant 128 : i32
      %mul3A_388 = arith.muli %sub3A_386, %mul3A_387 : i32
      %add3A_389 = arith.addi %mul3A_2, %mul3A_388 : i32
      %dma_wait3A_390 = arith.constant 0 : i32
      %dma_wait3A_391 = tpu.memref_slice %arg4[%add3A_389, %dma_wait3A_390] : memref<204800x128xf32, #tpu.memory_space<hbm>> -> memref<128x128xf32, #tpu.memory_space<hbm>>
      %dma_wait3A_392 = arith.constant 0 : i32
      %dma_wait3A_393 = tpu.memref_slice %arg4[%add3A_389, %dma_wait3A_392] : memref<204800x128xf32, #tpu.memory_space<hbm>> -> memref<128x128xf32, #tpu.memory_space<hbm>>
      tpu.wait_dma2 semaphore(%arg18 : memref<!tpu.dma_semaphore, #tpu.memory_space<semaphore_mem>>) src(%arg8 : memref<128x128xf32, #tpu.memory_space<vmem>>) dst(%dma_wait3A_393 : memref<128x128xf32, #tpu.memory_space<hbm>>)
      %add3A_394 = arith.constant 5 : i32
      %add3A_395 = arith.addi %add3A_371, %add3A_394 : i32
      %sub3A_396 = arith.constant 1 : i32
      %sub3A_397 = arith.subi %add3A_395, %sub3A_396 : i32
      %dma_start3A_398 = arith.constant 0 : i32
      %dma_start3A_399 = tpu.memref_slice %arg5[%sub3A_397, %dma_start3A_398] : memref<50x128xi32, #tpu.memory_space<vmem>> -> memref<1x128xi32, #tpu.memory_space<vmem>>
      %dma_start3A_400 = tpu.memref_squeeze %dma_start3A_399 : memref<1x128xi32, #tpu.memory_space<vmem>> -> memref<128xi32, #tpu.memory_space<vmem>>
      %dma_start3A_401 = arith.constant 0 : i32
      %dma_start3A_402 = arith.constant 0 : i32
      %dma_start3A_403 = tpu.memref_slice %arg3[%dma_start3A_401, %dma_start3A_402] : memref<100000x128xf32, #tpu.memory_space<hbm>> -> memref<100000x128xf32, #tpu.memory_space<hbm>>
      tpu.enqueue_indirect_dma source(%dma_start3A_403 : memref<100000x128xf32, #tpu.memory_space<hbm>>) target(%arg8 : memref<128x128xf32, #tpu.memory_space<vmem>>) offsets(%dma_start3A_400 : memref<128xi32, #tpu.memory_space<vmem>>) semaphore(%arg13 : memref<!tpu.dma_semaphore, #tpu.memory_space<semaphore_mem>>)
      %add3A_404 = arith.constant 4 : i32
      %add3A_405 = arith.addi %mul3A_268, %add3A_404 : i32
      %dma_wait3A_406 = arith.constant 0 : i32
      %dma_wait3A_407 = tpu.memref_slice %arg5[%add3A_405, %dma_wait3A_406] : memref<50x128xi32, #tpu.memory_space<vmem>> -> memref<1x128xi32, #tpu.memory_space<vmem>>
      %dma_wait3A_408 = tpu.memref_squeeze %dma_wait3A_407 : memref<1x128xi32, #tpu.memory_space<vmem>> -> memref<128xi32, #tpu.memory_space<vmem>>
      %dma_wait3A_409 = arith.constant 0 : i32
      %dma_wait3A_410 = arith.constant 0 : i32
      %dma_wait3A_411 = tpu.memref_slice %arg3[%dma_wait3A_409, %dma_wait3A_410] : memref<100000x128xf32, #tpu.memory_space<hbm>> -> memref<100000x128xf32, #tpu.memory_space<hbm>>
      tpu.wait_indirect_dma semaphore(%arg15 : memref<!tpu.dma_semaphore, #tpu.memory_space<semaphore_mem>>) src(%dma_wait3A_411 : memref<100000x128xf32, #tpu.memory_space<hbm>>) dst(%arg10 : memref<128x128xf32, #tpu.memory_space<vmem>>)
      %mul3A_412 = arith.constant 128 : i32
      %mul3A_413 = arith.muli %add3A_405, %mul3A_412 : i32
      %add3A_414 = arith.addi %mul3A_2, %mul3A_413 : i32
      %dma_start3A_415 = arith.constant 0 : i32
      %dma_start3A_416 = tpu.memref_slice %arg4[%add3A_414, %dma_start3A_415] : memref<204800x128xf32, #tpu.memory_space<hbm>> -> memref<128x128xf32, #tpu.memory_space<hbm>>
      %dma_start3A_417 = arith.constant 0 : i32
      %dma_start3A_418 = tpu.memref_slice %arg4[%add3A_414, %dma_start3A_417] : memref<204800x128xf32, #tpu.memory_space<hbm>> -> memref<128x128xf32, #tpu.memory_space<hbm>>
      tpu.enqueue_dma source(%arg10 : memref<128x128xf32, #tpu.memory_space<vmem>>) target(%dma_start3A_418 : memref<128x128xf32, #tpu.memory_space<hbm>>) target_semaphore(%arg20 : memref<!tpu.dma_semaphore, #tpu.memory_space<semaphore_mem>>)
      %sub3A_419 = arith.constant 1 : i32
      %sub3A_420 = arith.subi %add3A_405, %sub3A_419 : i32
      %mul3A_421 = arith.constant 128 : i32
      %mul3A_422 = arith.muli %sub3A_420, %mul3A_421 : i32
      %add3A_423 = arith.addi %mul3A_2, %mul3A_422 : i32
      %dma_wait3A_424 = arith.constant 0 : i32
      %dma_wait3A_425 = tpu.memref_slice %arg4[%add3A_423, %dma_wait3A_424] : memref<204800x128xf32, #tpu.memory_space<hbm>> -> memref<128x128xf32, #tpu.memory_space<hbm>>
      %dma_wait3A_426 = arith.constant 0 : i32
      %dma_wait3A_427 = tpu.memref_slice %arg4[%add3A_423, %dma_wait3A_426] : memref<204800x128xf32, #tpu.memory_space<hbm>> -> memref<128x128xf32, #tpu.memory_space<hbm>>
      tpu.wait_dma2 semaphore(%arg19 : memref<!tpu.dma_semaphore, #tpu.memory_space<semaphore_mem>>) src(%arg9 : memref<128x128xf32, #tpu.memory_space<vmem>>) dst(%dma_wait3A_427 : memref<128x128xf32, #tpu.memory_space<hbm>>)
      %add3A_428 = arith.constant 5 : i32
      %add3A_429 = arith.addi %add3A_405, %add3A_428 : i32
      %sub3A_430 = arith.constant 1 : i32
      %sub3A_431 = arith.subi %add3A_429, %sub3A_430 : i32
      %dma_start3A_432 = arith.constant 0 : i32
      %dma_start3A_433 = tpu.memref_slice %arg5[%sub3A_431, %dma_start3A_432] : memref<50x128xi32, #tpu.memory_space<vmem>> -> memref<1x128xi32, #tpu.memory_space<vmem>>
      %dma_start3A_434 = tpu.memref_squeeze %dma_start3A_433 : memref<1x128xi32, #tpu.memory_space<vmem>> -> memref<128xi32, #tpu.memory_space<vmem>>
      %dma_start3A_435 = arith.constant 0 : i32
      %dma_start3A_436 = arith.constant 0 : i32
      %dma_start3A_437 = tpu.memref_slice %arg3[%dma_start3A_435, %dma_start3A_436] : memref<100000x128xf32, #tpu.memory_space<hbm>> -> memref<100000x128xf32, #tpu.memory_space<hbm>>
      tpu.enqueue_indirect_dma source(%dma_start3A_437 : memref<100000x128xf32, #tpu.memory_space<hbm>>) target(%arg9 : memref<128x128xf32, #tpu.memory_space<vmem>>) offsets(%dma_start3A_434 : memref<128xi32, #tpu.memory_space<vmem>>) semaphore(%arg14 : memref<!tpu.dma_semaphore, #tpu.memory_space<semaphore_mem>>)
    }
    %scan3A_157 = arith.constant 8 : i32
    %dma_wait3A_158 = arith.constant 45 : i32
    %dma_wait3A_159 = arith.constant 0 : i32
    %dma_wait3A_160 = tpu.memref_slice %arg5[%dma_wait3A_158, %dma_wait3A_159] : memref<50x128xi32, #tpu.memory_space<vmem>> -> memref<1x128xi32, #tpu.memory_space<vmem>>
    %dma_wait3A_161 = tpu.memref_squeeze %dma_wait3A_160 : memref<1x128xi32, #tpu.memory_space<vmem>> -> memref<128xi32, #tpu.memory_space<vmem>>
    %dma_wait3A_162 = arith.constant 0 : i32
    %dma_wait3A_163 = arith.constant 0 : i32
    %dma_wait3A_164 = tpu.memref_slice %arg3[%dma_wait3A_162, %dma_wait3A_163] : memref<100000x128xf32, #tpu.memory_space<hbm>> -> memref<100000x128xf32, #tpu.memory_space<hbm>>
    tpu.wait_indirect_dma semaphore(%arg11 : memref<!tpu.dma_semaphore, #tpu.memory_space<semaphore_mem>>) src(%dma_wait3A_164 : memref<100000x128xf32, #tpu.memory_space<hbm>>) dst(%arg6 : memref<128x128xf32, #tpu.memory_space<vmem>>)
    %add3A_165 = arith.constant 5760 : i32
    %add3A_166 = arith.addi %mul3A_2, %add3A_165 : i32
    %dma_start3A_167 = arith.constant 0 : i32
    %dma_start3A_168 = tpu.memref_slice %arg4[%add3A_166, %dma_start3A_167] : memref<204800x128xf32, #tpu.memory_space<hbm>> -> memref<128x128xf32, #tpu.memory_space<hbm>>
    %dma_start3A_169 = arith.constant 0 : i32
    %dma_start3A_170 = tpu.memref_slice %arg4[%add3A_166, %dma_start3A_169] : memref<204800x128xf32, #tpu.memory_space<hbm>> -> memref<128x128xf32, #tpu.memory_space<hbm>>
    tpu.enqueue_dma source(%arg6 : memref<128x128xf32, #tpu.memory_space<vmem>>) target(%dma_start3A_170 : memref<128x128xf32, #tpu.memory_space<hbm>>) target_semaphore(%arg16 : memref<!tpu.dma_semaphore, #tpu.memory_space<semaphore_mem>>)
    %add3A_171 = arith.constant 5632 : i32
    %add3A_172 = arith.addi %mul3A_2, %add3A_171 : i32
    %dma_wait3A_173 = arith.constant 0 : i32
    %dma_wait3A_174 = tpu.memref_slice %arg4[%add3A_172, %dma_wait3A_173] : memref<204800x128xf32, #tpu.memory_space<hbm>> -> memref<128x128xf32, #tpu.memory_space<hbm>>
    %dma_wait3A_175 = arith.constant 0 : i32
    %dma_wait3A_176 = tpu.memref_slice %arg4[%add3A_172, %dma_wait3A_175] : memref<204800x128xf32, #tpu.memory_space<hbm>> -> memref<128x128xf32, #tpu.memory_space<hbm>>
    tpu.wait_dma2 semaphore(%arg20 : memref<!tpu.dma_semaphore, #tpu.memory_space<semaphore_mem>>) src(%arg10 : memref<128x128xf32, #tpu.memory_space<vmem>>) dst(%dma_wait3A_176 : memref<128x128xf32, #tpu.memory_space<hbm>>)
    %dma_start3A_177 = arith.constant 49 : i32
    %dma_start3A_178 = arith.constant 0 : i32
    %dma_start3A_179 = tpu.memref_slice %arg5[%dma_start3A_177, %dma_start3A_178] : memref<50x128xi32, #tpu.memory_space<vmem>> -> memref<1x128xi32, #tpu.memory_space<vmem>>
    %dma_start3A_180 = tpu.memref_squeeze %dma_start3A_179 : memref<1x128xi32, #tpu.memory_space<vmem>> -> memref<128xi32, #tpu.memory_space<vmem>>
    %dma_start3A_181 = arith.constant 0 : i32
    %dma_start3A_182 = arith.constant 0 : i32
    %dma_start3A_183 = tpu.memref_slice %arg3[%dma_start3A_181, %dma_start3A_182] : memref<100000x128xf32, #tpu.memory_space<hbm>> -> memref<100000x128xf32, #tpu.memory_space<hbm>>
    tpu.enqueue_indirect_dma source(%dma_start3A_183 : memref<100000x128xf32, #tpu.memory_space<hbm>>) target(%arg10 : memref<128x128xf32, #tpu.memory_space<vmem>>) offsets(%dma_start3A_180 : memref<128xi32, #tpu.memory_space<vmem>>) semaphore(%arg15 : memref<!tpu.dma_semaphore, #tpu.memory_space<semaphore_mem>>)
    %dma_wait3A_184 = arith.constant 46 : i32
    %dma_wait3A_185 = arith.constant 0 : i32
    %dma_wait3A_186 = tpu.memref_slice %arg5[%dma_wait3A_184, %dma_wait3A_185] : memref<50x128xi32, #tpu.memory_space<vmem>> -> memref<1x128xi32, #tpu.memory_space<vmem>>
    %dma_wait3A_187 = tpu.memref_squeeze %dma_wait3A_186 : memref<1x128xi32, #tpu.memory_space<vmem>> -> memref<128xi32, #tpu.memory_space<vmem>>
    %dma_wait3A_188 = arith.constant 0 : i32
    %dma_wait3A_189 = arith.constant 0 : i32
    %dma_wait3A_190 = tpu.memref_slice %arg3[%dma_wait3A_188, %dma_wait3A_189] : memref<100000x128xf32, #tpu.memory_space<hbm>> -> memref<100000x128xf32, #tpu.memory_space<hbm>>
    tpu.wait_indirect_dma semaphore(%arg12 : memref<!tpu.dma_semaphore, #tpu.memory_space<semaphore_mem>>) src(%dma_wait3A_190 : memref<100000x128xf32, #tpu.memory_space<hbm>>) dst(%arg7 : memref<128x128xf32, #tpu.memory_space<vmem>>)
    %add3A_191 = arith.constant 5888 : i32
    %add3A_192 = arith.addi %mul3A_2, %add3A_191 : i32
    %dma_start3A_193 = arith.constant 0 : i32
    %dma_start3A_194 = tpu.memref_slice %arg4[%add3A_192, %dma_start3A_193] : memref<204800x128xf32, #tpu.memory_space<hbm>> -> memref<128x128xf32, #tpu.memory_space<hbm>>
    %dma_start3A_195 = arith.constant 0 : i32
    %dma_start3A_196 = tpu.memref_slice %arg4[%add3A_192, %dma_start3A_195] : memref<204800x128xf32, #tpu.memory_space<hbm>> -> memref<128x128xf32, #tpu.memory_space<hbm>>
    tpu.enqueue_dma source(%arg7 : memref<128x128xf32, #tpu.memory_space<vmem>>) target(%dma_start3A_196 : memref<128x128xf32, #tpu.memory_space<hbm>>) target_semaphore(%arg17 : memref<!tpu.dma_semaphore, #tpu.memory_space<semaphore_mem>>)
    %add3A_197 = arith.constant 5760 : i32
    %add3A_198 = arith.addi %mul3A_2, %add3A_197 : i32
    %dma_wait3A_199 = arith.constant 0 : i32
    %dma_wait3A_200 = tpu.memref_slice %arg4[%add3A_198, %dma_wait3A_199] : memref<204800x128xf32, #tpu.memory_space<hbm>> -> memref<128x128xf32, #tpu.memory_space<hbm>>
    %dma_wait3A_201 = arith.constant 0 : i32
    %dma_wait3A_202 = tpu.memref_slice %arg4[%add3A_198, %dma_wait3A_201] : memref<204800x128xf32, #tpu.memory_space<hbm>> -> memref<128x128xf32, #tpu.memory_space<hbm>>
    tpu.wait_dma2 semaphore(%arg16 : memref<!tpu.dma_semaphore, #tpu.memory_space<semaphore_mem>>) src(%arg6 : memref<128x128xf32, #tpu.memory_space<vmem>>) dst(%dma_wait3A_202 : memref<128x128xf32, #tpu.memory_space<hbm>>)
    %dma_wait3A_203 = arith.constant 47 : i32
    %dma_wait3A_204 = arith.constant 0 : i32
    %dma_wait3A_205 = tpu.memref_slice %arg5[%dma_wait3A_203, %dma_wait3A_204] : memref<50x128xi32, #tpu.memory_space<vmem>> -> memref<1x128xi32, #tpu.memory_space<vmem>>
    %dma_wait3A_206 = tpu.memref_squeeze %dma_wait3A_205 : memref<1x128xi32, #tpu.memory_space<vmem>> -> memref<128xi32, #tpu.memory_space<vmem>>
    %dma_wait3A_207 = arith.constant 0 : i32
    %dma_wait3A_208 = arith.constant 0 : i32
    %dma_wait3A_209 = tpu.memref_slice %arg3[%dma_wait3A_207, %dma_wait3A_208] : memref<100000x128xf32, #tpu.memory_space<hbm>> -> memref<100000x128xf32, #tpu.memory_space<hbm>>
    tpu.wait_indirect_dma semaphore(%arg13 : memref<!tpu.dma_semaphore, #tpu.memory_space<semaphore_mem>>) src(%dma_wait3A_209 : memref<100000x128xf32, #tpu.memory_space<hbm>>) dst(%arg8 : memref<128x128xf32, #tpu.memory_space<vmem>>)
    %add3A_210 = arith.constant 6016 : i32
    %add3A_211 = arith.addi %mul3A_2, %add3A_210 : i32
    %dma_start3A_212 = arith.constant 0 : i32
    %dma_start3A_213 = tpu.memref_slice %arg4[%add3A_211, %dma_start3A_212] : memref<204800x128xf32, #tpu.memory_space<hbm>> -> memref<128x128xf32, #tpu.memory_space<hbm>>
    %dma_start3A_214 = arith.constant 0 : i32
    %dma_start3A_215 = tpu.memref_slice %arg4[%add3A_211, %dma_start3A_214] : memref<204800x128xf32, #tpu.memory_space<hbm>> -> memref<128x128xf32, #tpu.memory_space<hbm>>
    tpu.enqueue_dma source(%arg8 : memref<128x128xf32, #tpu.memory_space<vmem>>) target(%dma_start3A_215 : memref<128x128xf32, #tpu.memory_space<hbm>>) target_semaphore(%arg18 : memref<!tpu.dma_semaphore, #tpu.memory_space<semaphore_mem>>)
    %add3A_216 = arith.constant 5888 : i32
    %add3A_217 = arith.addi %mul3A_2, %add3A_216 : i32
    %dma_wait3A_218 = arith.constant 0 : i32
    %dma_wait3A_219 = tpu.memref_slice %arg4[%add3A_217, %dma_wait3A_218] : memref<204800x128xf32, #tpu.memory_space<hbm>> -> memref<128x128xf32, #tpu.memory_space<hbm>>
    %dma_wait3A_220 = arith.constant 0 : i32
    %dma_wait3A_221 = tpu.memref_slice %arg4[%add3A_217, %dma_wait3A_220] : memref<204800x128xf32, #tpu.memory_space<hbm>> -> memref<128x128xf32, #tpu.memory_space<hbm>>
    tpu.wait_dma2 semaphore(%arg17 : memref<!tpu.dma_semaphore, #tpu.memory_space<semaphore_mem>>) src(%arg7 : memref<128x128xf32, #tpu.memory_space<vmem>>) dst(%dma_wait3A_221 : memref<128x128xf32, #tpu.memory_space<hbm>>)
    %dma_wait3A_222 = arith.constant 48 : i32
    %dma_wait3A_223 = arith.constant 0 : i32
    %dma_wait3A_224 = tpu.memref_slice %arg5[%dma_wait3A_222, %dma_wait3A_223] : memref<50x128xi32, #tpu.memory_space<vmem>> -> memref<1x128xi32, #tpu.memory_space<vmem>>
    %dma_wait3A_225 = tpu.memref_squeeze %dma_wait3A_224 : memref<1x128xi32, #tpu.memory_space<vmem>> -> memref<128xi32, #tpu.memory_space<vmem>>
    %dma_wait3A_226 = arith.constant 0 : i32
    %dma_wait3A_227 = arith.constant 0 : i32
    %dma_wait3A_228 = tpu.memref_slice %arg3[%dma_wait3A_226, %dma_wait3A_227] : memref<100000x128xf32, #tpu.memory_space<hbm>> -> memref<100000x128xf32, #tpu.memory_space<hbm>>
    tpu.wait_indirect_dma semaphore(%arg14 : memref<!tpu.dma_semaphore, #tpu.memory_space<semaphore_mem>>) src(%dma_wait3A_228 : memref<100000x128xf32, #tpu.memory_space<hbm>>) dst(%arg9 : memref<128x128xf32, #tpu.memory_space<vmem>>)
    %add3A_229 = arith.constant 6144 : i32
    %add3A_230 = arith.addi %mul3A_2, %add3A_229 : i32
    %dma_start3A_231 = arith.constant 0 : i32
    %dma_start3A_232 = tpu.memref_slice %arg4[%add3A_230, %dma_start3A_231] : memref<204800x128xf32, #tpu.memory_space<hbm>> -> memref<128x128xf32, #tpu.memory_space<hbm>>
    %dma_start3A_233 = arith.constant 0 : i32
    %dma_start3A_234 = tpu.memref_slice %arg4[%add3A_230, %dma_start3A_233] : memref<204800x128xf32, #tpu.memory_space<hbm>> -> memref<128x128xf32, #tpu.memory_space<hbm>>
    tpu.enqueue_dma source(%arg9 : memref<128x128xf32, #tpu.memory_space<vmem>>) target(%dma_start3A_234 : memref<128x128xf32, #tpu.memory_space<hbm>>) target_semaphore(%arg19 : memref<!tpu.dma_semaphore, #tpu.memory_space<semaphore_mem>>)
    %add3A_235 = arith.constant 6016 : i32
    %add3A_236 = arith.addi %mul3A_2, %add3A_235 : i32
    %dma_wait3A_237 = arith.constant 0 : i32
    %dma_wait3A_238 = tpu.memref_slice %arg4[%add3A_236, %dma_wait3A_237] : memref<204800x128xf32, #tpu.memory_space<hbm>> -> memref<128x128xf32, #tpu.memory_space<hbm>>
    %dma_wait3A_239 = arith.constant 0 : i32
    %dma_wait3A_240 = tpu.memref_slice %arg4[%add3A_236, %dma_wait3A_239] : memref<204800x128xf32, #tpu.memory_space<hbm>> -> memref<128x128xf32, #tpu.memory_space<hbm>>
    tpu.wait_dma2 semaphore(%arg18 : memref<!tpu.dma_semaphore, #tpu.memory_space<semaphore_mem>>) src(%arg8 : memref<128x128xf32, #tpu.memory_space<vmem>>) dst(%dma_wait3A_240 : memref<128x128xf32, #tpu.memory_space<hbm>>)
    %dma_wait3A_241 = arith.constant 49 : i32
    %dma_wait3A_242 = arith.constant 0 : i32
    %dma_wait3A_243 = tpu.memref_slice %arg5[%dma_wait3A_241, %dma_wait3A_242] : memref<50x128xi32, #tpu.memory_space<vmem>> -> memref<1x128xi32, #tpu.memory_space<vmem>>
    %dma_wait3A_244 = tpu.memref_squeeze %dma_wait3A_243 : memref<1x128xi32, #tpu.memory_space<vmem>> -> memref<128xi32, #tpu.memory_space<vmem>>
    %dma_wait3A_245 = arith.constant 0 : i32
    %dma_wait3A_246 = arith.constant 0 : i32
    %dma_wait3A_247 = tpu.memref_slice %arg3[%dma_wait3A_245, %dma_wait3A_246] : memref<100000x128xf32, #tpu.memory_space<hbm>> -> memref<100000x128xf32, #tpu.memory_space<hbm>>
    tpu.wait_indirect_dma semaphore(%arg15 : memref<!tpu.dma_semaphore, #tpu.memory_space<semaphore_mem>>) src(%dma_wait3A_247 : memref<100000x128xf32, #tpu.memory_space<hbm>>) dst(%arg10 : memref<128x128xf32, #tpu.memory_space<vmem>>)
    %add3A_248 = arith.constant 6272 : i32
    %add3A_249 = arith.addi %mul3A_2, %add3A_248 : i32
    %dma_start3A_250 = arith.constant 0 : i32
    %dma_start3A_251 = tpu.memref_slice %arg4[%add3A_249, %dma_start3A_250] : memref<204800x128xf32, #tpu.memory_space<hbm>> -> memref<128x128xf32, #tpu.memory_space<hbm>>
    %dma_start3A_252 = arith.constant 0 : i32
    %dma_start3A_253 = tpu.memref_slice %arg4[%add3A_249, %dma_start3A_252] : memref<204800x128xf32, #tpu.memory_space<hbm>> -> memref<128x128xf32, #tpu.memory_space<hbm>>
    tpu.enqueue_dma source(%arg10 : memref<128x128xf32, #tpu.memory_space<vmem>>) target(%dma_start3A_253 : memref<128x128xf32, #tpu.memory_space<hbm>>) target_semaphore(%arg20 : memref<!tpu.dma_semaphore, #tpu.memory_space<semaphore_mem>>)
    %add3A_254 = arith.constant 6144 : i32
    %add3A_255 = arith.addi %mul3A_2, %add3A_254 : i32
    %dma_wait3A_256 = arith.constant 0 : i32
    %dma_wait3A_257 = tpu.memref_slice %arg4[%add3A_255, %dma_wait3A_256] : memref<204800x128xf32, #tpu.memory_space<hbm>> -> memref<128x128xf32, #tpu.memory_space<hbm>>
    %dma_wait3A_258 = arith.constant 0 : i32
    %dma_wait3A_259 = tpu.memref_slice %arg4[%add3A_255, %dma_wait3A_258] : memref<204800x128xf32, #tpu.memory_space<hbm>> -> memref<128x128xf32, #tpu.memory_space<hbm>>
    tpu.wait_dma2 semaphore(%arg19 : memref<!tpu.dma_semaphore, #tpu.memory_space<semaphore_mem>>) src(%arg9 : memref<128x128xf32, #tpu.memory_space<vmem>>) dst(%dma_wait3A_259 : memref<128x128xf32, #tpu.memory_space<hbm>>)
    %add3A_260 = arith.constant 6272 : i32
    %add3A_261 = arith.addi %mul3A_2, %add3A_260 : i32
    %dma_wait3A_262 = arith.constant 0 : i32
    %dma_wait3A_263 = tpu.memref_slice %arg4[%add3A_261, %dma_wait3A_262] : memref<204800x128xf32, #tpu.memory_space<hbm>> -> memref<128x128xf32, #tpu.memory_space<hbm>>
    %dma_wait3A_264 = arith.constant 0 : i32
    %dma_wait3A_265 = tpu.memref_slice %arg4[%add3A_261, %dma_wait3A_264] : memref<204800x128xf32, #tpu.memory_space<hbm>> -> memref<128x128xf32, #tpu.memory_space<hbm>>
    tpu.wait_dma2 semaphore(%arg20 : memref<!tpu.dma_semaphore, #tpu.memory_space<semaphore_mem>>) src(%arg10 : memref<128x128xf32, #tpu.memory_space<vmem>>) dst(%dma_wait3A_265 : memref<128x128xf32, #tpu.memory_space<hbm>>)
    return
  }
}

</mosaic_0001>

<sc_bundles>
// kernel: kernel.3.cloned.1.call-start
scs
__scs_entry_jumppad:
0x0: {  	(pc) =	sbr.rel $0x88, $3  }
0x1: {  	(tag) =	ssettag $0x0;
	lr =	simm.s32 $0x1  }
0x2: {  	[smem:$0x3F9F] =	sst lr;
	_ =	strace $0xD0000000  }
0x3: {  	_ = 	snop  }
0x4: {  	_ = 	snop  }
0x5: {  	_ = 	snop  }
0x6: {  	_ = 	snop  }
0x7: {  	_ = 	snop  }
__scs_overlays_trampoline_lowered:
0x8: {  	[smem:$0x3FAE] =	sst s0  }
0x9: {  	[smem:$0x3FAF] =	sst s1  }
0xa: {  	[smem:$0x3FB0] =	sst s2  }
0xb: {  	[smem:$0x3FB1] =	sst s3  }
0xc: {  	[smem:$0x3FB2] =	sst s4  }
0xd: {  	[smem:$0x3FB3] =	sst s5  }
0xe: {  	[smem:$0x3FB4] =	sst s6  }
0xf: {  	[smem:$0x3FB5] =	sst s7  }
0x10: {  	[smem:$0x3FB6] =	sst s8  }
0x11: {  	[smem:$0x3FB7] =	sst s9;
	s0 =	simm.s32 @!p0 $0x0  }
0x12: {  	s1 =	sld [smem:$0x3F9D];
	s0 =	simm.s32 @p0 $0x1  }
0x13: {  	[smem:$0x3FB8] =	sst s0;
	s0 =	simm.s32 @!p1 $0x0  }
0x14: {  	s2 =	sld [smem:$0x3F9C];
	s0 =	simm.s32 @p1 $0x1  }
0x15: {  	[smem:$0x3FB9] =	sst s0;
	s0 =	simm.s32 @!p2 $0x0  }
0x16: {  	s3 =	sld [smem:$0x3FDB];
	s0 =	simm.s32 @p2 $0x1  }
0x17: {  	s4 =	simm.s32 $0x1BF5;
	[smem:$0x3FBB] =	sst s0  }
0x18: {  	s0 =	sld [smem:$0x3F9E];
	_ =	swait.ge [sflag:s4], $0x0  }
0x19: {  	s7 =	sld [smem:$0x3F9F]  }
0x1a: {  	s8 =	sadd.s32 $0xFFFFE003, lr  }
0x1b: {  	s9 =	sadd.s32 $0xFFFFFEF7, lr;
	s5 =	simm.s32 $0xFFFFFFFF;
	p2 =	slt.u32 s8, $0xFFFFF086  }
0x1c: {  	p1 =	slt.u32 s9, $0xF7A;
	s5 =	simm.s32 @!p2 $0x0  }
0x1d: {  	s5 =	simm.s32 @p1 $0x1;
	p0 =	seq.s32 s7, s2  }
0x1e: {  	s7 =	smul.u32 @!p0 $0xF7A, s2;
	p2 =	seq.s32 @!p0 s5, $0x0  }
0x1f: {  	s9 =	smul.u32 $0xF7A, s1;
	s8 =	simm.s32 @!p0 $0x1BF5;
	p2 =	por !p2, p0  }
0x20: {  	[sflag:s8] =	ssyncset.s32 @!p0 $0xFFFFF086;
	s6 =	sadd.s32 @!p0 s3, s7;
	s7 =	simm.s32 @!p0 $0x108  }
0x21: {  	s3 =	sadd.s32 s3, s9;
	s6 =	sadd.s32 @!p0 $0x88, s6;
	s7 =	simm.s32 @p2 $0x1082  }
0x22: {  	[simem:s7], [sflag:s8] =	dma.local @!p0 [hbm:s6], $0xF7A  }
0x23: {  	s9 =	sor.u32 $0xD0000000, s2;
	s6 =	simm.s32 $0x108;
	_ =	swait.ge @!p0 [sflag:s8], $0x0  }
0x24: {  	s3 =	sadd.s32 $0x88, s3;
	s6 =	simm.s32 @!p1 $0x1082;
	[sflag:s4] =	ssyncset.s32 $0xFFFFF086  }
0x25: {  	[simem:s6], [sflag:s4] =	dma.local [hbm:s3], $0xF7A  }
0x26: {  	[smem:$0x3F9F] =	sst s1;
	(tag) =	ssettag s2;
	_ =	strace s9  }
0x27: {  	s1 =	sld [smem:$0x3FAF]  }
0x28: {  	s2 =	sld [smem:$0x3FB0]  }
0x29: {  	s4 =	sld [smem:$0x3FB2]  }
0x2a: {  	p0 =	seq.s32 s5, $0x0;
	s5 =	sld [smem:$0x3FB3]  }
0x2b: {  	s6 =	sld [smem:$0x3FB4]  }
0x2c: {  	s7 =	sld [smem:$0x3FB5]  }
0x2d: {  	s3 =	simm.s32 $0x108;
	s8 =	sld [smem:$0x3FB6]  }
0x2e: {  	s3 =	simm.s32 @!p0 $0x1082;
	s9 =	sld [smem:$0x3FB7]  }
0x2f: {  	lr =	sadd.s32 s0, s3;
	s0 =	sld [smem:$0x3FAE]  }
0x30: {  	s3 =	sld [smem:$0x3FB1]  }
0x31: {  	[smem:$0x3FBA] =	sst s10  }
0x32: {  	s10 =	sld [smem:$0x3FB8];
	_ =	sdelay $0x3  }
0x33: {  	p0 =	seq.s32 s10, $0x1;
	s10 =	sld [smem:$0x3FBA];
	_ =	sdelay $0x3  }
0x34: {  	[smem:$0x3FBA] =	sst s10  }
0x35: {  	s10 =	sld [smem:$0x3FB9];
	_ =	sdelay $0x3  }
0x36: {  	p1 =	seq.s32 s10, $0x1;
	s10 =	sld [smem:$0x3FBA];
	_ =	sdelay $0x3  }
0x37: {  	[smem:$0x3FBA] =	sst s10  }
0x38: {  	s10 =	sld [smem:$0x3FBB]  }
0x39: {  	_ = 	snop;
	(pc) =	sbr.ind lr, $3  }
0x3a: {  	_ = 	snop  }
0x3b: {  	_ = 	snop  }
0x3c: {  	p2 =	seq.s32 s10, $0x1;
	s10 =	sld [smem:$0x3FBA]  }
0x3d: {  	_ =	shalt  }
0x3e: {  	_ =	shalt  }
0x3f: {  	_ =	shalt  }
0x40: {  	_ =	shalt  }
0x41: {  	_ =	shalt  }
0x42: {  	_ =	shalt  }
0x43: {  	_ =	shalt  }
0x44: {  	_ =	shalt  }
0x45: {  	_ =	shalt  }
0x46: {  	_ =	shalt  }
0x47: {  	_ =	shalt  }
0x48: {  	_ =	shalt  }
0x49: {  	_ =	shalt  }
0x4a: {  	_ =	shalt  }
0x4b: {  	_ =	shalt  }
0x4c: {  	_ =	shalt  }
0x4d: {  	_ =	shalt  }
0x4e: {  	_ =	shalt  }
0x4f: {  	_ =	shalt  }
0x50: {  	_ =	shalt  }
0x51: {  	_ =	shalt  }
0x52: {  	_ =	shalt  }
0x53: {  	_ =	shalt  }
0x54: {  	_ =	shalt  }
0x55: {  	_ =	shalt  }
0x56: {  	_ =	shalt  }
0x57: {  	_ =	shalt  }
0x58: {  	_ =	shalt  }
0x59: {  	_ =	shalt  }
0x5a: {  	_ =	shalt  }
0x5b: {  	_ =	shalt  }
0x5c: {  	_ =	shalt  }
0x5d: {  	_ =	shalt  }
0x5e: {  	_ =	shalt  }
0x5f: {  	_ =	shalt  }
0x60: {  	_ =	shalt  }
0x61: {  	_ =	shalt  }
0x62: {  	_ =	shalt  }
0x63: {  	_ =	shalt  }
0x64: {  	_ =	shalt  }
0x65: {  	_ =	shalt  }
0x66: {  	_ =	shalt  }
0x67: {  	_ =	shalt  }
0x68: {  	_ =	shalt  }
0x69: {  	_ =	shalt  }
0x6a: {  	_ =	shalt  }
0x6b: {  	_ =	shalt  }
0x6c: {  	_ =	shalt  }
0x6d: {  	_ =	shalt  }
0x6e: {  	_ =	shalt  }
0x6f: {  	_ =	shalt  }
0x70: {  	_ =	shalt  }
0x71: {  	_ =	shalt  }
0x72: {  	_ =	shalt  }
0x73: {  	_ =	shalt  }
0x74: {  	_ =	shalt  }
0x75: {  	_ =	shalt  }
0x76: {  	_ =	shalt  }
0x77: {  	_ =	shalt  }
0x78: {  	_ =	shalt  }
0x79: {  	_ =	shalt  }
0x7a: {  	_ =	shalt  }
0x7b: {  	_ =	shalt  }
0x7c: {  	_ =	shalt  }
0x7d: {  	_ =	shalt  }
0x7e: {  	_ =	shalt  }
0x7f: {  	_ =	shalt  }
0x80: {  	_ =	shalt  }
0x81: {  	_ =	shalt  }
0x82: {  	_ =	shalt  }
0x83: {  	_ =	shalt  }
0x84: {  	_ =	shalt  }
0x85: {  	_ =	shalt  }
0x86: {  	_ =	shalt  }
0x87: {  	_ =	shalt  }
.Lfunc_end0:
.L_simem_size_0:
called_computation.1_lowered:
.L_overlay_start_0:
0x88: {  	s2 =	sld [smem:$0x3FD9]  }
0x89: {  	s3 =	sld [smem:$0x3FFE];
	_ =	sdelay $0x1  }
0x8a: {  	s1 =	srdreg.scid  }
0x8b: {  	s0 =	sand.u32 $0x1, s1  }
0x8c: {  	s17 =	sshll.u32 s0, $0xA;
	s2 =	sadd.s32 s3, s2  }
0x8d: {  	s2 =	sadd.s32 s2, s17  }
0x8e: {  	[smem:$0x3FC6] =	sst s2  }
0x8f: {  	_ = 	snop  }
0x90: {  	s2 =	sld [smem:$0x3FC8]  }
0x91: {  	s18 =	sld [smem:$0x3FD0];
	(tm) =	ssettm $0x1  }
0x92: {  	s4 =	sld [smem:$0x3FFB];
	_ =	sdelay $0x3  }
0x93: {  	_ =	strace s4  }
0x94: {  	s4 =	sld [smem:$0x3FFC];
	_ =	sdelay $0x3  }
0x95: {  	_ =	strace s4  }
0x96: {  	s4 =	sld [smem:$0x3FFD];
	_ =	sdelay $0x3  }
0x97: {  	_ =	strace s4  }
0x98: {  	_ =	strace $0x8FFFFFFF  }
0x99: {  	s19 =	sld [smem:$0x3FDB];
	_ =	sdelay $0x1  }
0x9a: {  	s5 =	simm.s32 $_scs_section_size  }
0x9b: {  	s6 =	simm.s32 $_size__tile_overlayer_lowered;
	s7 =	simm.s32 $_tile_overlayer_lowered  }
0x9c: {  	s22 =	simm.s32 $0x1BFF;
	s21 =	sshll.u32 s7, $0x1;
	s4 =	sadd.s32 s5, s19  }
0x9d: {  	s8 =	simm.s32 $0x0;
	s20 =	sshll.u32 s6, $0x1;
	s6 =	sadd.s32 s21, s4  }
0x9e: {  	[timem:s8], [sflag:s22] =	dma.local [hbm:s6], s20  }
0x9f: {  	_ =	swait.ge [sflag:s22], s20  }
0xa0: {  	s5 =	ssub.s32 $0x0, s20;
	[sflag:s22] =	ssyncset.done $0x0  }
0xa1: {  	[sflag:s22] =	ssyncadd.s32 s5;
	_ =	sdelay $0x1  }
0xa2: {  	s23 =	simm.s32 $0x1B8B  }
0xa3: {  	_ =	swait.ge [sflag:s23], $0x1  }
0xa4: {  	[sflag:s23] =	ssyncset.done $0x0  }
0xa5: {  	s25 =	simm.s32 $0x1B8E;
	s24 =	sld [smem:$0x3FFE];
	[sflag:s23] =	ssyncadd.s32 $0xFFFFFFFF  }
0xa6: {  	s26 =	simm.s32 $execute0_lowered;
	[smem:$0x3FD2] =	sst s25  }
0xa7: {  	s6 =	sshll.u32 s26, $0x1;
	_ =	strace $0x80000046;
	[dreg:$0x1] =	wrdreg $0xFFFFFFFF  }
0xa8: {  	s28 =	simm.s32 $_size_execute0_lowered;
	s4 =	sadd.s32 s4, s6;
	[dreg:$0x0] =	wrdreg $0x0  }
0xa9: {  	s6 =	sshll.u32 s28, $0x1;
	[dreg:$0x2] =	wrdreg s4  }
0xaa: {  	[dreg:$0x3] =	wrdreg s6  }
0xab: {  	[dreg:$0x4] =	wrdreg $0xC0  }
0xac: {  	_ =	task [dreg:s8], $0x5FFFF  }
0xad: {  	[dreg:$0x1] =	wrdreg $0xFFFFFFFF  }
0xae: {  	[dreg:$0x0] =	wrdreg $0x60  }
0xaf: {  	[dreg:$0x2] =	wrdreg s24  }
0xb0: {  	[dreg:$0x3] =	wrdreg s2  }
0xb1: {  	[dreg:$0x4] =	wrdreg s18  }
0xb2: {  	[dreg:$0x5] =	wrdreg $0x9  }
0xb3: {  	_ =	task.clear_ibuf [dreg:s8], $0x6FFFF;
	_ =	strace $0x90000046  }
0xb4: {  	s29 =	simm.s32 $0x9;
	_ =	strace $0x80000048  }
0xb5: {  	_ =	swait.ge [sflag:s29], $0x1  }
0xb6: {  	[sflag:s29] =	ssyncadd.s32 $0xFFFFFFFF  }
0xb7: {  	_ =	strace $0x90000048  }
0xb8: {  	_ =	sfence  }
0xb9: {  	s30 =	sld [smem:$0x0];
	_ =	sdelay $0x2  }
0xba: {  	s31 =	sshll.u32 s1, $0xD;
	s1 =	sshrl.u32 s1, $0x2  }
0xbb: {  	s3 =	sand.u32 $0x4000, s31;
	s1 =	sadd.s32 s1, s30  }
0xbc: {  	s0 =	sor.u32 s3, s0;
	s1 =	sshll.u32 s1, $0x11  }
0xbd: {  	s0 =	sor.u32 s1, s0  }
0xbe: {  	s0 =	sadd.s32 $0x8F2B, s0  }
0xbf: {  	[sflag:s0] =	ssyncadd.remote.s32 $0x1  }
0xc0: {  	_ =	sfence.sel $0xFFFF  }
0xc1: {  	[dreg:$0x0] =	wrdreg $0xFFFFFFFF;
	(pc) =	sbr.abs _section_cstart, $3  }
0xc2: {  	[dreg:$0x1] =	wrdreg $0xFFFFFFFF  }
0xc3: {  	_ =	task.clear_ibuf [dreg:s8], $0x2FFFF;
	_ =	strace $0x9FFFFFFF  }
0xc4: {  	(tm) =	ssettm $0x7FFFFFFF  }
0xc5: {  	_ =	shalt  }
tec
execute0_lowered:
.L_overlay_start_1:
0x0: {  	(tag) =	ssettag $0x1  }
0x1: {  	s0 =	rddreg [dreg:$0x0];
	s1 =	srdreg.scid  }
0x2: {  	s9 =	stileid.u32;
	s2 =	rddreg [dreg:$0x1]  }
0x3: {  	s5 =	rddreg [dreg:$0x2];
	s17 =	simm.s32 $0xB;
	s18 =	simm.s32 $0x80  }
0x4: {  	s19 =	simm.s32 $0x1C00;
	s28 =	simm.s32 $0x1;
	s29 =	simm.s32 $0x2  }
0x5: {  	s1 =	sand.u32 $0x1, s1;
	s3 =	sshll.u32 s9, $0x1;
	s25 =	smul.u32 $0x32000, s9  }
0x6: {  	s4 =	sor.u32 s1, s3;
	s8 =	ssub.s32 $0x2, s1;
	s1 =	smul.u32 $0x19000, s1  }
0x7: {  	s30 =	simm.s32 $0x6;
	s3 =	simm.s32 $0x0;
	s6 =	smul.u32 $0x380, s4  }
0x8: {  	s31 =	simm.s32 $0x9;
	[smem:$0x7FF] =	sst s3;
	s7 =	smul.u32 $0xC8000, s4  }
0x9: {  	s4 =	smul.u32 $0x19000, s4;
	s20 =	sshrl.u32 s8, $0x1;
	_ =	strace $0x80000047  }
0xa: {  	s0 =	sadd.s32 s6, s0;
	s7 =	sshrl.u32 s7, $0x3;
	s6 =	ssub.s32 s8, s20  }
0xb: {  	s4 =	sadd.s32 s5, s4;
	s20 =	simm.s32 $0x5C00;
	s0 =	sadd.s32 $0x800, s0  }
0xc: {  	s7 =	sadd.s32 s5, s7;
	s21 =	sadd.s32 $0x800, s4;
	[dreg:$0x4] =	wrdreg s0  }
0xd: {  	s15 =	smax.u32 s6, $0x1;
	s6 =	simm.s32 $0x0;
	[dreg:$0x5] =	wrdreg s21  }
0xe: {  	s22 =	sadd.s32 $0x1000, s7;
	s23 =	sadd.s32 $0x1800, s7;
	s24 =	sadd.s32 $0x2000, s7  }
0xf: {  	s26 =	sadd.s32 $0x16800, s7;
	s11 =	sadd.s32 $0x17000, s7;
	s12 =	sadd.s32 $0x17800, s7  }
0x10: {  	s13 =	sadd.s32 $0x18000, s7;
	s0 =	sadd.s32 s25, s5;
	[dreg:$0x6] =	wrdreg s22  }
0x11: {  	s14 =	sadd.s32 $0x18800, s7;
	s25 =	simm.s32 $0x8;
	[dreg:$0x7] =	wrdreg s23  }
0x12: {  	s21 =	simm.s32 $0x5;
	s5 =	simm.s32 $0xA;
	[dreg:$0x8] =	wrdreg s24  }
0x13: {  	[dreg:$0x9] =	wrdreg s26;
	s0 =	sadd.s32 s1, s0;
	s22 =	simm.s32 $0x9C00  }
0x14: {  	s24 =	simm.s32 $0xDC00;
	s26 =	simm.s32 $0x11C00;
	s1 =	simm.s32 $0x3  }
0x15: {  	s23 =	simm.s32 $0x4;
	s16 =	sadd.s32 $0x4800, s0;
	s0 =	simm.s32 $0x7  }
.LBB2_1:
0x16: {  	s7 =	rddreg [dreg:$0x4]  }
0x17: {  	[tilespmem:s3], [sflag:$0xB] =	stream.linear.gather [hbm4b:s7+s3], $0x1900, $0x38;
	[tilespmem:$0x15C00] =	vst v63  }
0x18: {  	_ =	swait.ge [sflag:s17], $0x1900  }
0x19: {  	[sflag:s17] =	ssyncset.done $0x0  }
0x1a: {  	[sflag:s17] =	ssyncadd.s32 $0xFFFFE700  }
0x1b: {  	[tilespmem:s19], [sflag:$0x1] =	stream.indirect.gather [hbm4b:s2+s18], $0x80, s3, s18, $0xb8;
	[tilespmem:$0x15C00] =	vst v63  }
0x1c: {  	_ = 	snop  }
0x1d: {  	[tilespmem:s20], [sflag:$0x2] =	stream.indirect.gather [hbm4b:s2+s18], $0x80, s18, s18, $0xb8;
	[tilespmem:$0x15C00] =	vst v63  }
0x1e: {  	s10 =	simm.s32 $0x100  }
0x1f: {  	[tilespmem:s22], [sflag:$0x3] =	stream.indirect.gather [hbm4b:s2+s18], $0x80, s10, s18, $0xb8;
	[tilespmem:$0x15C00] =	vst v63  }
0x20: {  	s8 =	simm.s32 $0x180  }
0x21: {  	[tilespmem:s24], [sflag:$0x4] =	stream.indirect.gather [hbm4b:s2+s18], $0x80, s8, s18, $0xb8;
	[tilespmem:$0x15C00] =	vst v63  }
0x22: {  	s9 =	simm.s32 $0x200  }
0x23: {  	[tilespmem:s26], [sflag:$0x5] =	stream.indirect.gather [hbm4b:s2+s18], $0x80, s9, s18, $0xb8;
	[tilespmem:$0x15C00] =	vst v63  }
0x24: {  	_ =	swait.ge [sflag:s28], $0x4000  }
0x25: {  	[sflag:s28] =	ssyncset.done $0x0  }
0x26: {  	[sflag:s28] =	ssyncadd.s32 $0xFFFFC000  }
0x27: {  	[hbm4b:s4+s3] =	stream.linear.scatter [tilespmem:s19], [sflag:$0x6], $0x4000, $0x38;
	[tilespmem:$0x15C00] =	vst v63  }
0x28: {  	_ =	swait.ge [sflag:s29], $0x4000  }
0x29: {  	[sflag:s29] =	ssyncset.done $0x0  }
0x2a: {  	s10 =	rddreg [dreg:$0x5];
	[sflag:s29] =	ssyncadd.s32 $0xFFFFC000  }
0x2b: {  	[hbm4b:s10+s3] =	stream.linear.scatter [tilespmem:s20], [sflag:$0x7], $0x4000, $0x38;
	[tilespmem:$0x15C00] =	vst v63  }
0x2c: {  	_ =	swait.ge [sflag:s30], $0x4000  }
0x2d: {  	[sflag:s30] =	ssyncset.done $0x0  }
0x2e: {  	s8 =	simm.s32 $0x280;
	[sflag:s30] =	ssyncadd.s32 $0xFFFFC000  }
0x2f: {  	[tilespmem:s19], [sflag:$0x1] =	stream.indirect.gather [hbm4b:s2+s18], $0x80, s8, s18, $0xb8;
	[tilespmem:$0x15C00] =	vst v63  }
0x30: {  	_ =	swait.ge [sflag:s1], $0x4000  }
0x31: {  	[sflag:s1] =	ssyncset.done $0x0  }
0x32: {  	s9 =	rddreg [dreg:$0x6];
	[sflag:s1] =	ssyncadd.s32 $0xFFFFC000  }
0x33: {  	[hbm4b:s9+s3] =	stream.linear.scatter [tilespmem:s22], [sflag:$0x8], $0x4000, $0x38;
	[tilespmem:$0x15C00] =	vst v63  }
0x34: {  	_ =	swait.ge [sflag:s0], $0x4000  }
0x35: {  	[sflag:s0] =	ssyncset.done $0x0  }
0x36: {  	s10 =	simm.s32 $0x300;
	[sflag:s0] =	ssyncadd.s32 $0xFFFFC000  }
0x37: {  	[tilespmem:s20], [sflag:$0x2] =	stream.indirect.gather [hbm4b:s2+s18], $0x80, s10, s18, $0xb8;
	[tilespmem:$0x15C00] =	vst v63  }
0x38: {  	_ =	swait.ge [sflag:s23], $0x4000  }
0x39: {  	[sflag:s23] =	ssyncset.done $0x0  }
0x3a: {  	s8 =	rddreg [dreg:$0x7];
	[sflag:s23] =	ssyncadd.s32 $0xFFFFC000  }
0x3b: {  	[hbm4b:s8+s3] =	stream.linear.scatter [tilespmem:s24], [sflag:$0x9], $0x4000, $0x38;
	[tilespmem:$0x15C00] =	vst v63  }
0x3c: {  	_ =	swait.ge [sflag:s25], $0x4000  }
0x3d: {  	[sflag:s25] =	ssyncset.done $0x0  }
0x3e: {  	s9 =	simm.s32 $0x380;
	[sflag:s25] =	ssyncadd.s32 $0xFFFFC000  }
0x3f: {  	[tilespmem:s22], [sflag:$0x3] =	stream.indirect.gather [hbm4b:s2+s18], $0x80, s9, s18, $0xb8;
	[tilespmem:$0x15C00] =	vst v63  }
0x40: {  	_ =	swait.ge [sflag:s21], $0x4000  }
0x41: {  	[sflag:s21] =	ssyncset.done $0x0  }
0x42: {  	s10 =	rddreg [dreg:$0x8];
	[sflag:s21] =	ssyncadd.s32 $0xFFFFC000  }
0x43: {  	[hbm4b:s10+s3] =	stream.linear.scatter [tilespmem:s26], [sflag:$0xA], $0x4000, $0x38;
	[tilespmem:$0x15C00] =	vst v63  }
0x44: {  	_ =	swait.ge [sflag:s31], $0x4000  }
0x45: {  	[sflag:s31] =	ssyncset.done $0x0  }
0x46: {  	s8 =	simm.s32 $0x400;
	[sflag:s31] =	ssyncadd.s32 $0xFFFFC000  }
0x47: {  	[tilespmem:s24], [sflag:$0x4] =	stream.indirect.gather [hbm4b:s2+s18], $0x80, s8, s18, $0xb8;
	[tilespmem:$0x15C00] =	vst v63  }
0x48: {  	_ =	swait.ge [sflag:s28], $0x4000  }
0x49: {  	[sflag:s28] =	ssyncset.done $0x0  }
0x4a: {  	s9 =	sadd.s32 $0xFFFFE000, s16;
	[sflag:s28] =	ssyncadd.s32 $0xFFFFC000  }
0x4b: {  	[hbm4b:s9+s3] =	stream.linear.scatter [tilespmem:s19], [sflag:$0x6], $0x4000, $0x38;
	[tilespmem:$0x15C00] =	vst v63  }
0x4c: {  	_ =	swait.ge [sflag:s5], $0x4000  }
0x4d: {  	[sflag:s5] =	ssyncset.done $0x0  }
0x4e: {  	s10 =	simm.s32 $0x480;
	[sflag:s5] =	ssyncadd.s32 $0xFFFFC000  }
0x4f: {  	[tilespmem:s26], [sflag:$0x5] =	stream.indirect.gather [hbm4b:s2+s18], $0x80, s10, s18, $0xb8;
	[tilespmem:$0x15C00] =	vst v63  }
0x50: {  	_ =	swait.ge [sflag:s29], $0x4000  }
0x51: {  	[sflag:s29] =	ssyncset.done $0x0  }
0x52: {  	s8 =	sadd.s32 $0xFFFFE800, s16;
	[sflag:s29] =	ssyncadd.s32 $0xFFFFC000  }
0x53: {  	[hbm4b:s8+s3] =	stream.linear.scatter [tilespmem:s20], [sflag:$0x7], $0x4000, $0x38;
	[tilespmem:$0x15C00] =	vst v63  }
0x54: {  	_ =	swait.ge [sflag:s30], $0x4000  }
0x55: {  	[sflag:s30] =	ssyncset.done $0x0  }
0x56: {  	s9 =	simm.s32 $0x500;
	[sflag:s30] =	ssyncadd.s32 $0xFFFFC000  }
0x57: {  	[tilespmem:s19], [sflag:$0x1] =	stream.indirect.gather [hbm4b:s2+s18], $0x80, s9, s18, $0xb8;
	[tilespmem:$0x15C00] =	vst v63  }
0x58: {  	_ =	swait.ge [sflag:s1], $0x4000  }
0x59: {  	[sflag:s1] =	ssyncset.done $0x0  }
0x5a: {  	s10 =	sadd.s32 $0xFFFFF000, s16;
	[sflag:s1] =	ssyncadd.s32 $0xFFFFC000  }
0x5b: {  	[hbm4b:s10+s3] =	stream.linear.scatter [tilespmem:s22], [sflag:$0x8], $0x4000, $0x38;
	[tilespmem:$0x15C00] =	vst v63  }
0x5c: {  	_ =	swait.ge [sflag:s0], $0x4000  }
0x5d: {  	[sflag:s0] =	ssyncset.done $0x0  }
0x5e: {  	s8 =	simm.s32 $0x580;
	[sflag:s0] =	ssyncadd.s32 $0xFFFFC000  }
0x5f: {  	[tilespmem:s20], [sflag:$0x2] =	stream.indirect.gather [hbm4b:s2+s18], $0x80, s8, s18, $0xb8;
	[tilespmem:$0x15C00] =	vst v63  }
0x60: {  	_ =	swait.ge [sflag:s23], $0x4000  }
0x61: {  	[sflag:s23] =	ssyncset.done $0x0  }
0x62: {  	s9 =	sadd.s32 $0xFFFFF800, s16;
	[sflag:s23] =	ssyncadd.s32 $0xFFFFC000  }
0x63: {  	[hbm4b:s9+s3] =	stream.linear.scatter [tilespmem:s24], [sflag:$0x9], $0x4000, $0x38;
	[tilespmem:$0x15C00] =	vst v63  }
0x64: {  	_ =	swait.ge [sflag:s25], $0x4000  }
0x65: {  	[sflag:s25] =	ssyncset.done $0x0  }
0x66: {  	s10 =	simm.s32 $0x600;
	[sflag:s25] =	ssyncadd.s32 $0xFFFFC000  }
0x67: {  	[tilespmem:s22], [sflag:$0x3] =	stream.indirect.gather [hbm4b:s2+s18], $0x80, s10, s18, $0xb8;
	[tilespmem:$0x15C00] =	vst v63  }
0x68: {  	_ =	swait.ge [sflag:s21], $0x4000  }
0x69: {  	[sflag:s21] =	ssyncset.done $0x0  }
0x6a: {  	[sflag:s21] =	ssyncadd.s32 $0xFFFFC000  }
0x6b: {  	[hbm4b:s16+s3] =	stream.linear.scatter [tilespmem:s26], [sflag:$0xA], $0x4000, $0x38;
	[tilespmem:$0x15C00] =	vst v63  }
0x6c: {  	_ =	swait.ge [sflag:s31], $0x4000  }
0x6d: {  	s7 =	simm.s32 $0xA00;
	[sflag:s31] =	ssyncset.done $0x0  }
0x6e: {  	s8 =	sadd.s32 $0x2800, s16;
	s9 =	simm.s32 $0x680;
	[sflag:s31] =	ssyncadd.s32 $0xFFFFC000  }
.LBB2_2:
0x6f: {  	[tilespmem:s24], [sflag:$0x4] =	stream.indirect.gather [hbm4b:s2+s18], $0x80, s9, s18, $0xb8;
	[tilespmem:$0x15C00] =	vst v63  }
0x70: {  	s9 =	smov.u32 s7  }
0x71: {  	p0 =	sne.s32 s7, $0x4600;
	s7 =	sadd.s32 $0xA00, s7;
	_ =	swait.ge [sflag:s28], $0x4000  }
0x72: {  	[sflag:s28] =	ssyncset.done $0x0  }
0x73: {  	s10 =	sadd.s32 $0xFFFFE000, s8;
	[sflag:s28] =	ssyncadd.s32 $0xFFFFC000  }
0x74: {  	[hbm4b:s10+s3] =	stream.linear.scatter [tilespmem:s19], [sflag:$0x6], $0x4000, $0x38;
	[tilespmem:$0x15C00] =	vst v63  }
0x75: {  	_ =	swait.ge [sflag:s5], $0x4000  }
0x76: {  	s9 =	sshra.s32 s9, $0x2;
	[sflag:s5] =	ssyncset.done $0x0  }
0x77: {  	s10 =	sadd.s32 $0x480, s9;
	[sflag:s5] =	ssyncadd.s32 $0xFFFFC000  }
0x78: {  	[tilespmem:s26], [sflag:$0x5] =	stream.indirect.gather [hbm4b:s2+s18], $0x80, s10, s18, $0xb8;
	[tilespmem:$0x15C00] =	vst v63  }
0x79: {  	_ =	swait.ge [sflag:s29], $0x4000  }
0x7a: {  	[sflag:s29] =	ssyncset.done $0x0  }
0x7b: {  	s10 =	sadd.s32 $0xFFFFE800, s8;
	[sflag:s29] =	ssyncadd.s32 $0xFFFFC000  }
0x7c: {  	[hbm4b:s10+s3] =	stream.linear.scatter [tilespmem:s20], [sflag:$0x7], $0x4000, $0x38;
	[tilespmem:$0x15C00] =	vst v63  }
0x7d: {  	_ =	swait.ge [sflag:s30], $0x4000  }
0x7e: {  	[sflag:s30] =	ssyncset.done $0x0  }
0x7f: {  	s10 =	sadd.s32 $0x500, s9;
	[sflag:s30] =	ssyncadd.s32 $0xFFFFC000  }
0x80: {  	[tilespmem:s19], [sflag:$0x1] =	stream.indirect.gather [hbm4b:s2+s18], $0x80, s10, s18, $0xb8;
	[tilespmem:$0x15C00] =	vst v63  }
0x81: {  	_ =	swait.ge [sflag:s1], $0x4000  }
0x82: {  	[sflag:s1] =	ssyncset.done $0x0  }
0x83: {  	s10 =	sadd.s32 $0xFFFFF000, s8;
	[sflag:s1] =	ssyncadd.s32 $0xFFFFC000  }
0x84: {  	[hbm4b:s10+s3] =	stream.linear.scatter [tilespmem:s22], [sflag:$0x8], $0x4000, $0x38;
	[tilespmem:$0x15C00] =	vst v63  }
0x85: {  	_ =	swait.ge [sflag:s0], $0x4000  }
0x86: {  	[sflag:s0] =	ssyncset.done $0x0  }
0x87: {  	s10 =	sadd.s32 $0x580, s9;
	[sflag:s0] =	ssyncadd.s32 $0xFFFFC000  }
0x88: {  	[tilespmem:s20], [sflag:$0x2] =	stream.indirect.gather [hbm4b:s2+s18], $0x80, s10, s18, $0xb8;
	[tilespmem:$0x15C00] =	vst v63  }
0x89: {  	_ =	swait.ge [sflag:s23], $0x4000  }
0x8a: {  	[sflag:s23] =	ssyncset.done $0x0  }
0x8b: {  	s10 =	sadd.s32 $0xFFFFF800, s8;
	[sflag:s23] =	ssyncadd.s32 $0xFFFFC000  }
0x8c: {  	[hbm4b:s10+s3] =	stream.linear.scatter [tilespmem:s24], [sflag:$0x9], $0x4000, $0x38;
	[tilespmem:$0x15C00] =	vst v63  }
0x8d: {  	_ =	swait.ge [sflag:s25], $0x4000  }
0x8e: {  	[sflag:s25] =	ssyncset.done $0x0  }
0x8f: {  	s10 =	sadd.s32 $0x600, s9;
	[sflag:s25] =	ssyncadd.s32 $0xFFFFC000  }
0x90: {  	[tilespmem:s22], [sflag:$0x3] =	stream.indirect.gather [hbm4b:s2+s18], $0x80, s10, s18, $0xb8;
	[tilespmem:$0x15C00] =	vst v63  }
0x91: {  	_ =	swait.ge [sflag:s21], $0x4000  }
0x92: {  	[sflag:s21] =	ssyncset.done $0x0  }
.Ltmp0:
0x93: {  	[sflag:s21] =	ssyncadd.s32 $0xFFFFC000;
	(pc) =	sbr.rel @p0 .LBB2_2-.Ltmp0, $4  }
0x94: {  	[hbm4b:s8+s3] =	stream.linear.scatter [tilespmem:s26], [sflag:$0xA], $0x4000, $0x38;
	[tilespmem:$0x15C00] =	vst v63  }
0x95: {  	_ =	swait.ge [sflag:s31], $0x4000  }
0x96: {  	[sflag:s31] =	ssyncset.done $0x0  }
0x97: {  	s9 =	sadd.s32 $0x680, s9;
	s8 =	sadd.s32 $0x2800, s8;
	[sflag:s31] =	ssyncadd.s32 $0xFFFFC000  }
0x98: {  	[tilespmem:s24], [sflag:$0x4] =	stream.indirect.gather [hbm4b:s2+s18], $0x80, s9, s18, $0xb8;
	[tilespmem:$0x15C00] =	vst v63  }
0x99: {  	_ =	swait.ge [sflag:s28], $0x4000  }
0x9a: {  	[sflag:s28] =	ssyncset.done $0x0  }
0x9b: {  	s7 =	rddreg [dreg:$0x9];
	[sflag:s28] =	ssyncadd.s32 $0xFFFFC000  }
0x9c: {  	[hbm4b:s7+s3] =	stream.linear.scatter [tilespmem:s19], [sflag:$0x6], $0x4000, $0x38;
	[tilespmem:$0x15C00] =	vst v63  }
0x9d: {  	_ =	swait.ge [sflag:s5], $0x4000  }
0x9e: {  	[sflag:s5] =	ssyncset.done $0x0  }
0x9f: {  	s10 =	simm.s32 $0x1880;
	[sflag:s5] =	ssyncadd.s32 $0xFFFFC000  }
0xa0: {  	[tilespmem:s26], [sflag:$0x5] =	stream.indirect.gather [hbm4b:s2+s18], $0x80, s10, s18, $0xb8;
	[tilespmem:$0x15C00] =	vst v63  }
0xa1: {  	_ =	swait.ge [sflag:s29], $0x4000  }
0xa2: {  	[sflag:s29] =	ssyncset.done $0x0  }
0xa3: {  	[sflag:s29] =	ssyncadd.s32 $0xFFFFC000  }
0xa4: {  	[hbm4b:s11+s3] =	stream.linear.scatter [tilespmem:s20], [sflag:$0x7], $0x4000, $0x38;
	[tilespmem:$0x15C00] =	vst v63  }
0xa5: {  	_ =	swait.ge [sflag:s30], $0x4000  }
0xa6: {  	[sflag:s30] =	ssyncset.done $0x0  }
0xa7: {  	[sflag:s30] =	ssyncadd.s32 $0xFFFFC000  }
0xa8: {  	_ =	swait.ge [sflag:s1], $0x4000  }
0xa9: {  	[sflag:s1] =	ssyncset.done $0x0  }
0xaa: {  	[sflag:s1] =	ssyncadd.s32 $0xFFFFC000  }
0xab: {  	[hbm4b:s12+s3] =	stream.linear.scatter [tilespmem:s22], [sflag:$0x8], $0x4000, $0x38;
	[tilespmem:$0x15C00] =	vst v63  }
0xac: {  	_ =	swait.ge [sflag:s0], $0x4000  }
0xad: {  	[sflag:s0] =	ssyncset.done $0x0  }
0xae: {  	[sflag:s0] =	ssyncadd.s32 $0xFFFFC000  }
0xaf: {  	_ =	swait.ge [sflag:s23], $0x4000  }
0xb0: {  	[sflag:s23] =	ssyncset.done $0x0  }
0xb1: {  	[sflag:s23] =	ssyncadd.s32 $0xFFFFC000  }
0xb2: {  	[hbm4b:s13+s3] =	stream.linear.scatter [tilespmem:s24], [sflag:$0x9], $0x4000, $0x38;
	[tilespmem:$0x15C00] =	vst v63  }
0xb3: {  	_ =	swait.ge [sflag:s25], $0x4000  }
0xb4: {  	[sflag:s25] =	ssyncset.done $0x0  }
0xb5: {  	[sflag:s25] =	ssyncadd.s32 $0xFFFFC000  }
0xb6: {  	_ =	swait.ge [sflag:s21], $0x4000  }
0xb7: {  	[sflag:s21] =	ssyncset.done $0x0  }
0xb8: {  	s6 =	sadd.s32 $0x1, s6;
	[sflag:s21] =	ssyncadd.s32 $0xFFFFC000  }
0xb9: {  	[hbm4b:s14+s3] =	stream.linear.scatter [tilespmem:s26], [sflag:$0xA], $0x4000, $0x38;
	[tilespmem:$0x15C00] =	vst v63  }
0xba: {  	p0 =	sne.s32 s6, s15;
	_ =	swait.ge [sflag:s31], $0x4000  }
.Ltmp1:
0xbb: {  	[sflag:s31] =	ssyncset.done $0x0;
	(pc) =	sbr.rel @p0 .LBB2_1-.Ltmp1, $4  }
0xbc: {  	[sflag:s31] =	ssyncadd.s32 $0xFFFFC000  }
0xbd: {  	_ =	swait.ge [sflag:s5], $0x4000  }
0xbe: {  	[sflag:s5] =	ssyncset.done $0x0  }
0xbf: {  	[sflag:s5] =	ssyncadd.s32 $0xFFFFC000  }
0xc0: {  	_ =	sfence.sel $0x180000  }
0xc1: {  	[bflag:$0x0] =	sbarrier.arrive $0xFFFF  }
0xc2: {  	_ =	strace $0x90000047  }
0xc3: {  	s0 =	stileid.u32;
	[bflag:$0x2] =	sbarrier.arrive $0xFFFF  }
0xc4: {  	p0 =	sne.s32 s0, $0x0;
	s0 =	rddreg [dreg:$0x3]  }
0xc5: {  	s0 =	sadd.s32 @!p0 $0x100000, s0  }
0xc6: {  	[sflag:s0] =	ssyncadd.tile.s32 @!p0 $0x1;
	_ =	shalt  }
.Lfunc_end2:
_tile_overlayer_lowered:
.L_overlay_start_2:
0xc7: {  	(tag) =	ssettag $0x2  }
0xc8: {  	s0 =	rddreg [dreg:$0x0];
	s2 =	stileid.u32  }
0xc9: {  	s1 =	rddreg [dreg:$0x1];
	p0 =	sne.s32 s2, $0x0  }
0xca: {  	s3 =	rddreg [dreg:$0x2];
	[bflag:$0x3] =	sbarrier.arrive $0xFFFF;
	s2 =	simm.s32 @!p0 $0x1C0B  }
0xcb: {  	[timem:s3], [sflag:s2] =	dma.local @!p0 [hbm:s0], s1  }
0xcc: {  	s0 =	simm.s32 @!p0 $0xB  }
0xcd: {  	_ =	swait.ge @!p0 [sflag:s0], s1  }
0xce: {  	s1 =	ssub.s32 @!p0 $0x0, s1;
	[sflag:s0] =	ssyncset.done @!p0 $0x0  }
0xcf: {  	[sflag:s0] =	ssyncadd.s32 @!p0 s1  }
0xd0: {  	[bflag:$0x3] =	sbarrier.arrive $0xFFFF  }
0xd1: {  	_ =	shalt  }

// kernel: sparse-core-data-format-call.cloned.1.call-start
scs
called_computation_lowered:
.L_overlay_start_0:
0x0: {  	s2 =	sld [smem:$0x3FD9]  }
0x1: {  	s3 =	sld [smem:$0x3FFE];
	_ =	sdelay $0x1  }
0x2: {  	s1 =	srdreg.scid  }
0x3: {  	s0 =	sand.u32 $0x1, s1  }
0x4: {  	s18 =	sshll.u32 s0, $0xA;
	s2 =	sadd.s32 s3, s2  }
0x5: {  	s2 =	sadd.s32 s2, s18  }
0x6: {  	[smem:$0x3FC6] =	sst s2  }
0x7: {  	_ = 	snop  }
0x8: {  	s2 =	sld [smem:$0x3FD0];
	(tm) =	ssettm $0x1  }
0x9: {  	s19 =	sld [smem:$0x3FFB];
	_ =	sdelay $0x3  }
0xa: {  	_ =	strace s19  }
0xb: {  	s3 =	sld [smem:$0x3FFC];
	_ =	sdelay $0x3  }
0xc: {  	_ =	strace s3  }
0xd: {  	s3 =	sld [smem:$0x3FFD];
	_ =	sdelay $0x3  }
0xe: {  	_ =	strace s3  }
0xf: {  	_ =	strace $0x8FFFFFFF  }
0x10: {  	s20 =	sld [smem:$0x3FDB];
	_ =	sdelay $0x1  }
0x11: {  	s4 =	simm.s32 $_scs_section_size  }
0x12: {  	s5 =	simm.s32 $_size__tile_overlayer_lowered;
	s6 =	simm.s32 $_tile_overlayer_lowered  }
0x13: {  	s23 =	simm.s32 $0x1BFF;
	s22 =	sshll.u32 s6, $0x1;
	s3 =	sadd.s32 s4, s20  }
0x14: {  	s7 =	simm.s32 $0x0;
	s21 =	sshll.u32 s5, $0x1;
	s5 =	sadd.s32 s22, s3  }
0x15: {  	[timem:s7], [sflag:s23] =	dma.local [hbm:s5], s21  }
0x16: {  	_ =	swait.ge [sflag:s23], s21  }
0x17: {  	s4 =	ssub.s32 $0x0, s21;
	[sflag:s23] =	ssyncset.done $0x0  }
0x18: {  	[sflag:s23] =	ssyncadd.s32 s4;
	_ =	sdelay $0x1  }
0x19: {  	s24 =	simm.s32 $0x1B8B  }
0x1a: {  	_ =	swait.ge [sflag:s24], $0x1  }
0x1b: {  	[sflag:s24] =	ssyncset.done $0x0  }
0x1c: {  	s26 =	simm.s32 $0x1B8E;
	s25 =	sld [smem:$0x3FFE];
	[sflag:s24] =	ssyncadd.s32 $0xFFFFFFFF  }
0x1d: {  	s27 =	simm.s32 $execute0_lowered;
	[smem:$0x3FD2] =	sst s26  }
0x1e: {  	s5 =	sshll.u32 s27, $0x1;
	_ =	strace $0x80000049;
	[dreg:$0x1] =	wrdreg $0xFFFFFFFF  }
0x1f: {  	s28 =	simm.s32 $_size_execute0_lowered;
	s3 =	sadd.s32 s3, s5;
	[dreg:$0x0] =	wrdreg $0x0  }
0x20: {  	s5 =	sshll.u32 s28, $0x1;
	[dreg:$0x2] =	wrdreg s3  }
0x21: {  	[dreg:$0x3] =	wrdreg s5  }
0x22: {  	[dreg:$0x4] =	wrdreg $0xC0  }
0x23: {  	_ =	task [dreg:s7], $0x5FFFF  }
0x24: {  	[dreg:$0x1] =	wrdreg $0xFFFFFFFF  }
0x25: {  	[dreg:$0x0] =	wrdreg $0x60  }
0x26: {  	[dreg:$0x2] =	wrdreg s25  }
0x27: {  	[dreg:$0x3] =	wrdreg s2  }
0x28: {  	[dreg:$0x4] =	wrdreg $0x9  }
0x29: {  	_ =	task.clear_ibuf [dreg:s7], $0x5FFFF;
	_ =	strace $0x90000049  }
0x2a: {  	s29 =	simm.s32 $0x9;
	_ =	strace $0x8000004B  }
0x2b: {  	_ =	swait.ge [sflag:s29], $0x1  }
0x2c: {  	[sflag:s29] =	ssyncadd.s32 $0xFFFFFFFF  }
0x2d: {  	_ =	strace $0x9000004B  }
0x2e: {  	_ =	sfence  }
0x2f: {  	s30 =	sld [smem:$0x0];
	_ =	sdelay $0x2  }
0x30: {  	s31 =	sshll.u32 s1, $0xD;
	s1 =	sshrl.u32 s1, $0x2  }
0x31: {  	s3 =	sand.u32 $0x4000, s31;
	s1 =	sadd.s32 s1, s30  }
0x32: {  	s0 =	sor.u32 s3, s0;
	s1 =	sshll.u32 s1, $0x11  }
0x33: {  	s0 =	sor.u32 s1, s0  }
0x34: {  	s0 =	sadd.s32 $0x8F2B, s0  }
0x35: {  	[sflag:s0] =	ssyncadd.remote.s32 $0x1  }
0x36: {  	_ =	sfence.sel $0xFFFF  }
0x37: {  	[dreg:$0x0] =	wrdreg $0xFFFFFFFF;
	(pc) =	sbr.abs _section_cstart, $3  }
0x38: {  	[dreg:$0x1] =	wrdreg $0xFFFFFFFF  }
0x39: {  	_ =	task.clear_ibuf [dreg:s7], $0x2FFFF;
	_ =	strace $0x9FFFFFFF  }
0x3a: {  	(tm) =	ssettm $0x7FFFFFFF  }
0x3b: {  	_ =	shalt  }
tec
execute0_lowered:
.L_overlay_start_1:
0x0: {  	(tag) =	ssettag $0x1  }
0x1: {  	s0 =	srdreg.scid  }
0x2: {  	s1 =	sshll.u32 s0, $0x4  }
0x3: {  	s0 =	stileid.u32;
	s1 =	sand.u32 $0x10, s1  }
0x4: {  	s1 =	sor.u32 s0, s1  }
0x5: {  	s6 =	rddreg [dreg:$0x0];
	s4 =	simm.s32 $0x1;
	s2 =	sshll.u32 s1, $0x6  }
0x6: {  	s7 =	simm.s32 $0x2;
	s13 =	simm.s32 $0x0;
	s1 =	ssub.s32 $0x1000, s2  }
0x7: {  	s8 =	simm.s32 $0x2000;
	s9 =	simm.s32 $0x80000;
	s3 =	sand.u32 $0x7C0, s1  }
0x8: {  	s14 =	simm.s32 $0x0;
	s5 =	sshrl.u32 s1, $0xB;
	p0 =	sne.s32 s3, $0x0  }
.Ltmp0:
0x9: {  	s1 =	rddreg [dreg:$0x2];
	s4 =	simm.s32 @!p0 $0x0;
	(pc) =	sbr.rel .LBB1_1-.Ltmp0, $4  }
0xa: {  	s10 =	simm.s32 $0x0;
	s3 =	rddreg [dreg:$0x1];
	s5 =	sadd.s32 s4, s5  }
0xb: {  	_ =	strace $0x8000004A;
	s4 =	simm.s32 $0x1;
	s5 =	smul.u32 $0x19, s5  }
0xc: {  	s12 =	simm.s32 $0x0;
	s6 =	sadd.s32 $0x800, s6;
	[sflag:s4] =	ssyncpa.u1 $0x0  }
0xd: {  	s11 =	smov.u32 s2;
	[sflag:s7] =	ssyncpa.u1 $0x0;
	s7 =	sadd.s32 $0x1, s5  }
.LBB1_7:
0xe: {  	s15 =	sadd.s32 $0x2, s10  }
0xf: {  	s13 =	sadd.s32 $0x800, s11;
	s17 =	smov.u32 s11;
	p1 =	sgt.s32 s15, $0x31  }
0x10: {  	s17 =	smov.u32 @p1 s13  }
0x11: {  	s15 =	simm.s32 @p1 $0x0;
	p1 =	sgt.s32 s17, $0xFFF  }
0x12: {  	s17 =	smov.u32 @p1 s2;
	p1 =	sne.s32 s12, s7  }
.Ltmp1:
0x13: {  	p0 =	slt.u32 s12, $0x2;
	(pc) =	sbr.rel @!p1 .LBB1_8-.Ltmp1, $4  }
0x14: {  	s16 =	simm.s32 @!p0 $0x2  }
0x15: {  	s14 =	smov.u32 s11;
	_ =	swait.ge @!p0 [sflag:s16], $0x4000  }
0x16: {  	s13 =	smov.u32 s10;
	[sflag:s16] =	ssyncset.done @!p0 $0x0;
	s10 =	smov.u32 s15  }
0x17: {  	s12 =	sadd.s32 $0x1, s12;
	[sflag:s16] =	ssyncadd.s32 @!p0 $0xFFFFC000;
	s11 =	smov.u32 s17  }
.LBB1_1:
0x18: {  	p0 =	sge.u32 s12, s5  }
0x19: {  	s15 =	sand.u32 @!p0 $0x1FFFFFF, s10  }
0x1a: {  	s16 =	smulhi.u32 @!p0 $0x4924925, s15;
	_ =	sdelay $0x1  }
0x1b: {  	s16 =	smul.u32 @!p0 $0x38, s16  }
0x1c: {  	s17 =	sxor.u32 @!p0 $0xFFFFFFFF, s12;
	s18 =	smul.u32 @!p0 $0x380, s11  }
0x1d: {  	s31 =	sadd.s32 $0xFFFFFFFF, s12;
	s17 =	sshll.u32 @!p0 s17, $0xE;
	s15 =	ssub.s32 @!p0 s15, s16  }
0x1e: {  	s16 =	sand.u32 @!p0 $0x4000, s17;
	s17 =	sadd.s32 @!p0 s6, s18;
	s15 =	sshll.u32 @!p0 s15, $0x4  }
0x1f: {  	s18 =	simm.s32 @!p0 $0x1C00;
	s15 =	sadd.s32 @!p0 s15, s17;
	s17 =	simm.s32 @!p0 $0x100  }
0x20: {  	[tilespmem:s16], [sflag:$0x1] =	stream.strided.gather @!p0 [hbm4b:s15+s17], $0x4000, s18, s17, $0x38;
	[tilespmem:$0x10000] =	vst v63  }
0x21: {  	p0 =	sge.u32 s31, s5  }
.Ltmp2:
0x22: {  	_ = 	snop;
	(pc) =	sbr.rel @p0 .LBB1_7-.Ltmp2, $1  }
0x23: {  	_ =	sdelay $0x3  }
0x24: {  	_ =	swait.ge [sflag:s4], $0x4000;
	s15 =	sshll.u32 s12, $0xE  }
0x25: {  	[sflag:s4] =	ssyncset.done $0x0;
	s16 =	sand.u32 $0x4000, s15  }
0x26: {  	s17 =	simm.s32 $0x0;
	[sflag:s4] =	ssyncadd.s32 $0xFFFFC000;
	s15 =	sor.u32 $0x8000, s16  }
.LBB1_3:
0x27: {  	s18 =	sshll.u32 s17, $0x8  }
0x28: {  	s18 =	sand.u32 $0x3FFFFF00, s18  }
0x29: {  	s19 =	sshll.u32 s17, $0x7;
	s18 =	sadd.s32 s18, s16  }
0x2a: {  	s19 =	sand.u32 $0x3FFFFF80, s19;
	v0 =	vmov s18  }
0x2b: {  	s19 =	sadd.s32 s19, s15  }
0x2c: {  	p0 =	por $0x1, $0x1;
	v1 =	vmov s19;
	s18 =	simm.s32 $0x0  }
.LBB1_4:
0x2d: {  	s19 =	sshll.u32 s18, $0x7  }
0x2e: {  	s19 =	sand.u32 $0x3FFFFF80, s19  }
0x2f: {  	v2 =	vld.idx.msk [tilespmem:v0+s19+$0x0 ss:$0x1], $0xffff  }
0x30: {  	v3 =	vld.idx.msk [tilespmem:v0+s19+$0x10 ss:$0x1], $0xffff  }
0x31: {  	v4 =	vld.idx.msk [tilespmem:v0+s19+$0x20 ss:$0x1], $0xffff  }
0x32: {  	s31 =	sshll.u32 s18, $0xD;
	v5 =	vld.idx.msk [tilespmem:v0+s19+$0x30 ss:$0x1], $0xffff  }
0x33: {  	s18 =	sand.u32 $0x3FFFE000, s31;
	v6 =	vld.idx.msk [tilespmem:v0+s19+$0x40 ss:$0x1], $0xffff  }
0x34: {  	v63 =	vld.idx.msk [tilespmem:v0+s19+$0x70 ss:$0x1], $0xffff;
	[tilespmem:v1+s18+$0x0 ss:$0x1] =	vst.idx.msk $0xffff, v2  }
0x35: {  	v2 =	vld.idx.msk [tilespmem:v0+s19+$0x50 ss:$0x1], $0xffff;
	[tilespmem:v1+s18+$0x10 ss:$0x1] =	vst.idx.msk $0xffff, v3  }
0x36: {  	p1 =	por p0, p0;
	v3 =	vld.idx.msk [tilespmem:v0+s19+$0x60 ss:$0x1], $0xffff;
	[tilespmem:v1+s18+$0x20 ss:$0x1] =	vst.idx.msk $0xffff, v4  }
.Ltmp3:
0x37: {  	[tilespmem:v1+s18+$0x30 ss:$0x1] =	vst.idx.msk $0xffff, v5;
	(pc) =	sbr.rel @p1 .LBB1_4-.Ltmp3, $4  }
0x38: {  	[tilespmem:v1+s18+$0x40 ss:$0x1] =	vst.idx.msk $0xffff, v6  }
0x39: {  	[tilespmem:v1+s18+$0x70 ss:$0x1] =	vst.idx.msk $0xffff, v63  }
0x3a: {  	[tilespmem:v1+s18+$0x50 ss:$0x1] =	vst.idx.msk $0xffff, v2  }
0x3b: {  	p0 =	por $0x0, $0x0;
	[tilespmem:v1+s18+$0x60 ss:$0x1] =	vst.idx.msk $0xffff, v3;
	s18 =	simm.s32 $0x1  }
0x3c: {  	s17 =	sadd.s32 $0x1, s17  }
0x3d: {  	p0 =	sne.s32 s17, $0x40  }
.Ltmp4:
0x3e: {  	_ = 	snop;
	(pc) =	sbr.rel @p0 .LBB1_3-.Ltmp4, $1  }
0x3f: {  	_ =	sdelay $0x3  }
.Ltmp5:
0x40: {  	s14 =	sshll.u32 s14, $0x4;
	(pc) =	sbr.rel .LBB1_7-.Ltmp5, $4  }
0x41: {  	s14 =	sand.u32 $0xFFF0, s14  }
0x42: {  	s13 =	sshll.u32 s13, $0x10;
	s14 =	sadd.s32 s3, s14  }
0x43: {  	s13 =	sadd.s32 s13, s14  }
0x44: {  	[hbm4b:s13+s8] =	stream.strided.scatter [tilespmem:s15], [sflag:$0x2], $0x4000, s9, s8, $0x38;
	[tilespmem:$0x10000] =	vst v63  }
.LBB1_8:
0x45: {  	_ =	sfence.sel $0x180000  }
0x46: {  	s2 =	simm.s32 $0x1;
	[bflag:$0x0] =	sbarrier.arrive $0xFFFF  }
0x47: {  	s31 =	simm.s32 $0x2;
	[sflag:s2] =	ssyncpa.u1 $0x1  }
0x48: {  	[sflag:s31] =	ssyncpa.u1 $0x1  }
0x49: {  	p0 =	sne.s32 s0, $0x0;
	_ =	strace $0x9000004A  }
0x4a: {  	s0 =	sadd.s32 @!p0 $0x100000, s1;
	[bflag:$0x2] =	sbarrier.arrive $0xFFFF  }
0x4b: {  	[sflag:s0] =	ssyncadd.tile.s32 @!p0 $0x1;
	_ =	shalt  }
.Lfunc_end1:
_tile_overlayer_lowered:
.L_overlay_start_2:
0x4c: {  	(tag) =	ssettag $0x2  }
0x4d: {  	s0 =	rddreg [dreg:$0x0];
	s2 =	stileid.u32  }
0x4e: {  	s1 =	rddreg [dreg:$0x1];
	p0 =	sne.s32 s2, $0x0  }
0x4f: {  	s3 =	rddreg [dreg:$0x2];
	[bflag:$0x3] =	sbarrier.arrive $0xFFFF;
	s2 =	simm.s32 @!p0 $0x1C01  }
0x50: {  	[timem:s3], [sflag:s2] =	dma.local @!p0 [hbm:s0], s1  }
0x51: {  	s0 =	simm.s32 @!p0 $0x1  }
0x52: {  	_ =	swait.ge @!p0 [sflag:s0], s1  }
0x53: {  	s1 =	ssub.s32 @!p0 $0x0, s1;
	[sflag:s0] =	ssyncset.done @!p0 $0x0  }
0x54: {  	[sflag:s0] =	ssyncadd.s32 @!p0 s1  }
0x55: {  	[bflag:$0x3] =	sbarrier.arrive $0xFFFF  }
0x56: {  	_ =	shalt  }

</sc_bundles>
